<compile_context>
chip_gen: v7x
topology: tpu7x:2x2x1
jax: 0.10.2.dev20260603
libtpu: 0.0.44.dev20260713+nightly
codegen_flags: <defaults>
</compile_context>

<pallas_src>
import functools

import jax
import jax.numpy as jnp
from jax import lax
from jax.experimental import pallas as pl
from jax.experimental.pallas import tpu as pltpu
from jax.experimental.pallas import tpu_sc as plsc

_N = 4194304
_NCLS = 20
_NBINS = _NCLS * _NCLS
_IGNORE = 0

_NW = 32
_PER_W = _N // _NW
_CHUNK = 16384
_NCHUNK = _PER_W // _CHUNK
_VPC = _CHUNK // 16
_NGRP = _NBINS // 16


def _hist_body(x_hbm, y_hbm, w_hbm, out_hbm, x_v0, x_v1, y_v0, y_v1,
               acc_v, hist_v, sem0, sem1):
    del w_hbm
    wid = lax.axis_index("s") * 2 + lax.axis_index("c")
    base = wid * _PER_W
    lanes = lax.iota(jnp.int32, 16)
    sems = (sem0, sem1)
    xbufs = (x_v0, x_v1)
    ybufs = (y_v0, y_v1)

    zero16 = jnp.zeros((16,), jnp.float32)
    one16 = jnp.ones((16,), jnp.float32)

    @plsc.parallel_loop(0, _NBINS, unroll=8)
    def _(j):
        acc_v[pl.ds(j * 16, 16)] = zero16

    def issue(g):
        slot = g % 2
        off = base + g * _CHUNK
        sl = pl.ds(off, _CHUNK)
        return [
            pltpu.async_copy(x_hbm.at[sl], xbufs[slot], sems[slot]),
            pltpu.async_copy(y_hbm.at[sl], ybufs[slot], sems[slot]),
        ]

    def compute(slot):
        xs = xbufs[slot]
        ys = ybufs[slot]

        @plsc.parallel_loop(0, _CHUNK, step=16, unroll=2)
        def _(s):
            offs = s + lanes
            xv = plsc.load_gather(xs, [offs])
            yv = plsc.load_gather(ys, [offs])
            addr = (xv * _NCLS + yv) * 16 + lanes
            plsc.addupdate_scatter(acc_v, [addr], one16)

    pend = issue(0)
    for g in range(_NCHUNK):
        nxt = issue(g + 1) if g + 1 < _NCHUNK else None
        for h in pend:
            h.wait()
        compute(g % 2)
        pend = nxt

    @plsc.parallel_loop(0, _NGRP, unroll=5)
    def _(g):
        bins16 = (g * 16 + lanes) * 16
        gs = [plsc.load_gather(acc_v, [bins16 + l]) for l in range(16)]
        while len(gs) > 1:
            gs = [a + b for a, b in zip(gs[::2], gs[1::2])]
        hist_v[pl.ds(g * 16, 16)] = gs[0]

    pltpu.sync_copy(hist_v, out_hbm.at[wid])


_hist = functools.partial(
    pl.kernel,
    mesh=plsc.VectorSubcoreMesh(core_axis_name="c", subcore_axis_name="s"),
    out_type=jax.ShapeDtypeStruct((_NW, _NBINS), jnp.float32),
    compiler_params=pltpu.CompilerParams(needs_layout_passes=False),
    scratch_types=[
        pltpu.VMEM((_CHUNK,), jnp.int32),
        pltpu.VMEM((_CHUNK,), jnp.int32),
        pltpu.VMEM((_CHUNK,), jnp.int32),
        pltpu.VMEM((_CHUNK,), jnp.int32),
        pltpu.VMEM((_NBINS * 16,), jnp.float32),
        pltpu.VMEM((_NBINS,), jnp.float32),
        pltpu.SemaphoreType.DMA,
        pltpu.SemaphoreType.DMA,
    ],
)(_hist_body)


def _iou_body(parts_ref, iou_ref, mean_ref):
    conf = jnp.sum(parts_ref[...], axis=0)
    r = lax.broadcasted_iota(jnp.int32, (_NCLS, _NCLS), 0)
    c = lax.broadcasted_iota(jnp.int32, (_NCLS, _NCLS), 1)
    valid = (r != _IGNORE) & (c != _IGNORE)
    conf = jnp.where(valid, conf, 0.0)
    tp = jnp.sum(jnp.where(r == c, conf, 0.0), axis=1)
    rs = jnp.sum(conf, axis=1)
    cs = jnp.sum(conf, axis=0)
    union = rs + cs - tp + 1e-15
    iou = tp / union
    iou_ref[...] = iou
    m = jnp.round(jnp.sum(iou) / (_NCLS - 1), 4)
    mean_ref[...] = jnp.broadcast_to(m, (1, 1))


def kernel(x, y, weights):
    parts = _hist(x, y, weights)
    parts3 = parts.reshape(_NW, _NCLS, _NCLS)
    iou, mean = pl.pallas_call(
        _iou_body,
        out_shape=[
            jax.ShapeDtypeStruct((_NCLS,), jnp.float32),
            jax.ShapeDtypeStruct((1, 1), jnp.float32),
        ],
    )(parts3)
    return (mean[0, 0], iou)

# --- scband reference (transcript-rebuilt; emitter-appended) ---
"""Pipeline reference for scband-iou-eval-13486197310126 (READ-ONLY COPY).

The authoritative reference and input builder live on the scoring server;
editing this copy changes nothing except your own understanding.
"""

import jax, jax.numpy as jnp
import numpy as np

N_CLASSES = 20
IGNORE = 0
N = 4194304


def setup_inputs(seed: int = 0) -> dict:
    key = jax.random.key(seed)
    k1, k2 = jax.random.split(key, 2)
    x = jax.random.randint(k1, (N,), 0, N_CLASSES)
    y = jax.random.randint(k2, (N,), 0, N_CLASSES)
    weights = jnp.ones((N,), dtype=jnp.float32)
    return {"x": x, "y": y, "weights": weights}


def reference(x, y, weights):
    # add_batch: scatter-add (accumulate=True index_put_) of ones into conf matrix
    x_row = x.reshape(-1)
    y_row = y.reshape(-1)
    conf = jnp.zeros((N_CLASSES, N_CLASSES), dtype=jnp.float32)
    conf = conf.at[x_row, y_row].add(weights)
    # get_stats: zero out ignore row/col
    conf = conf.at[IGNORE, :].set(0.0)
    conf = conf.at[:, IGNORE].set(0.0)
    tp = jnp.diag(conf)
    fp = conf.sum(axis=1) - tp
    fn = conf.sum(axis=0) - tp
    # get_iou
    intersection = tp
    union = tp + fp + fn + 1e-15
    iou = intersection / union
    include = jnp.array([n for n in range(N_CLASSES) if n != IGNORE], dtype=jnp.int32)
    iou_mean = (intersection[include] / union[include]).mean()
    return (jnp.round(iou_mean, 4), iou)

if __name__ == "__main__":
    import jax
    _d = setup_inputs()
    print(jax.jit(kernel)(*tuple(_d.values())))

</pallas_src>

<mosaic_0001>
#map = affine_map<(d0, d1) -> (0)>
#map1 = affine_map<(d0, d1) -> (0, 0)>
module attributes {stable_mosaic.version = 14 : i64} {
  func.func @_hist_body(%arg0: i32, %arg1: i32, %arg2: memref<4194304xi32, #tpu.memory_space<hbm>>, %arg3: memref<4194304xi32, #tpu.memory_space<hbm>>, %arg4: memref<4194304xf32, #tpu.memory_space<hbm>>, %arg5: memref<32x400xf32, #tpu.memory_space<hbm>>, %arg6: memref<16384xi32, #tpu.memory_space<vmem>>, %arg7: memref<16384xi32, #tpu.memory_space<vmem>>, %arg8: memref<16384xi32, #tpu.memory_space<vmem>>, %arg9: memref<16384xi32, #tpu.memory_space<vmem>>, %arg10: memref<6400xf32, #tpu.memory_space<vmem>>, %arg11: memref<400xf32, #tpu.memory_space<vmem>>, %arg12: memref<!tpu.dma_semaphore, #tpu.memory_space<semaphore_mem>>, %arg13: memref<!tpu.dma_semaphore, #tpu.memory_space<semaphore_mem>>) attributes {dimension_semantics = [#tpu.dimension_semantics<core_parallel>, #tpu.dimension_semantics<subcore_parallel>], iteration_bounds = array<i64: 2, 16>, scalar_prefetch = 0 : i64, scratch_operands = 8 : i64, tpu.core_type = #tpu.core_type<sc_vector_subcore>, window_params = [{transform_indices = #map}, {transform_indices = #map}, {transform_indices = #map}, {transform_indices = #map1}]} {
    %mul3A = arith.constant 2 : i32
    %mul3A_0 = arith.muli %arg1, %mul3A : i32
    %add3A = arith.addi %mul3A_0, %arg0 : i32
    %mul3A_1 = arith.constant 131072 : i32
    %mul3A_2 = arith.muli %add3A, %mul3A_1 : i32
    %iota3A = tpu.iota {dimensions = array<i32: 0>} : vector<16xi32>
    %broadcast_in_dim3A = arith.constant 0.000000e+00 : f32
    %broadcast_in_dim3A_3 = vector.broadcast %broadcast_in_dim3A : f32 to vector<16xf32>
    %broadcast_in_dim3A_4 = arith.constant 1.000000e+00 : f32
    %broadcast_in_dim3A_5 = vector.broadcast %broadcast_in_dim3A_4 : f32 to vector<16xf32>
    %parallel_loop3A = arith.constant 0 : i32
    %parallel_loop3A_6 = arith.constant 400 : i32
    %parallel_loop3A_7 = arith.constant 1 : i32
    scf.for %parallel_loop3A_113 = %parallel_loop3A to %parallel_loop3A_6 step %parallel_loop3A_7  : i32 {
      %parallel_loop3A_114 = arith.constant 16 : i32
      %parallel_loop3A_115 = arith.muli %parallel_loop3A_113, %parallel_loop3A_114 : i32
      %parallel_loop3A_116 = arith.index_cast %parallel_loop3A_115 : i32 to index
      %parallel_loop3A_117 = tpu.vector_load %arg10[%parallel_loop3A_116] {strides = array<i32>} : memref<6400xf32, #tpu.memory_space<vmem>>, vector<16xf32>,
      tpu.vector_store %arg10[%parallel_loop3A_116], %broadcast_in_dim3A_3 {strides = array<i32>} : memref<6400xf32, #tpu.memory_space<vmem>>, vector<16xf32>,
    } {sc.loop_unroll_factor = 8 : i64, sc.parallel_access}
    %add3A_8 = arith.constant 0 : i32
    %add3A_9 = arith.addi %mul3A_2, %add3A_8 : i32
    %dma_start3A = tpu.memref_slice %arg2[%add3A_9] : memref<4194304xi32, #tpu.memory_space<hbm>> -> memref<16384xi32, #tpu.memory_space<hbm>>
    %dma_start3A_10 = tpu.memref_slice %arg2[%add3A_9] : memref<4194304xi32, #tpu.memory_space<hbm>> -> memref<16384xi32, #tpu.memory_space<hbm>>
    tpu.enqueue_dma source(%dma_start3A_10 : memref<16384xi32, #tpu.memory_space<hbm>>) target(%arg6 : memref<16384xi32, #tpu.memory_space<vmem>>) target_semaphore(%arg12 : memref<!tpu.dma_semaphore, #tpu.memory_space<semaphore_mem>>)
    %dma_start3A_11 = tpu.memref_slice %arg3[%add3A_9] : memref<4194304xi32, #tpu.memory_space<hbm>> -> memref<16384xi32, #tpu.memory_space<hbm>>
    %dma_start3A_12 = tpu.memref_slice %arg3[%add3A_9] : memref<4194304xi32, #tpu.memory_space<hbm>> -> memref<16384xi32, #tpu.memory_space<hbm>>
    tpu.enqueue_dma source(%dma_start3A_12 : memref<16384xi32, #tpu.memory_space<hbm>>) target(%arg8 : memref<16384xi32, #tpu.memory_space<vmem>>) target_semaphore(%arg12 : memref<!tpu.dma_semaphore, #tpu.memory_space<semaphore_mem>>)
    %add3A_13 = arith.constant 16384 : i32
    %add3A_14 = arith.addi %mul3A_2, %add3A_13 : i32
    %dma_start3A_15 = tpu.memref_slice %arg2[%add3A_14] : memref<4194304xi32, #tpu.memory_space<hbm>> -> memref<16384xi32, #tpu.memory_space<hbm>>
    %dma_start3A_16 = tpu.memref_slice %arg2[%add3A_14] : memref<4194304xi32, #tpu.memory_space<hbm>> -> memref<16384xi32, #tpu.memory_space<hbm>>
    tpu.enqueue_dma source(%dma_start3A_16 : memref<16384xi32, #tpu.memory_space<hbm>>) target(%arg7 : memref<16384xi32, #tpu.memory_space<vmem>>) target_semaphore(%arg13 : memref<!tpu.dma_semaphore, #tpu.memory_space<semaphore_mem>>)
    %dma_start3A_17 = tpu.memref_slice %arg3[%add3A_14] : memref<4194304xi32, #tpu.memory_space<hbm>> -> memref<16384xi32, #tpu.memory_space<hbm>>
    %dma_start3A_18 = tpu.memref_slice %arg3[%add3A_14] : memref<4194304xi32, #tpu.memory_space<hbm>> -> memref<16384xi32, #tpu.memory_space<hbm>>
    tpu.enqueue_dma source(%dma_start3A_18 : memref<16384xi32, #tpu.memory_space<hbm>>) target(%arg9 : memref<16384xi32, #tpu.memory_space<vmem>>) target_semaphore(%arg13 : memref<!tpu.dma_semaphore, #tpu.memory_space<semaphore_mem>>)
    %dma_wait3A = tpu.memref_slice %arg2[%add3A_9] : memref<4194304xi32, #tpu.memory_space<hbm>> -> memref<16384xi32, #tpu.memory_space<hbm>>
    %dma_wait3A_19 = tpu.memref_slice %arg2[%add3A_9] : memref<4194304xi32, #tpu.memory_space<hbm>> -> memref<16384xi32, #tpu.memory_space<hbm>>
    tpu.wait_dma2 semaphore(%arg12 : memref<!tpu.dma_semaphore, #tpu.memory_space<semaphore_mem>>) src(%dma_wait3A_19 : memref<16384xi32, #tpu.memory_space<hbm>>) dst(%arg6 : memref<16384xi32, #tpu.memory_space<vmem>>)
    %dma_wait3A_20 = tpu.memref_slice %arg3[%add3A_9] : memref<4194304xi32, #tpu.memory_space<hbm>> -> memref<16384xi32, #tpu.memory_space<hbm>>
    %dma_wait3A_21 = tpu.memref_slice %arg3[%add3A_9] : memref<4194304xi32, #tpu.memory_space<hbm>> -> memref<16384xi32, #tpu.memory_space<hbm>>
    tpu.wait_dma2 semaphore(%arg12 : memref<!tpu.dma_semaphore, #tpu.memory_space<semaphore_mem>>) src(%dma_wait3A_21 : memref<16384xi32, #tpu.memory_space<hbm>>) dst(%arg8 : memref<16384xi32, #tpu.memory_space<vmem>>)
    %parallel_loop3A_22 = arith.constant 0 : i32
    %parallel_loop3A_23 = arith.constant 16384 : i32
    %parallel_loop3A_24 = arith.constant 16 : i32
    scf.for %parallel_loop3A_113 = %parallel_loop3A_22 to %parallel_loop3A_23 step %parallel_loop3A_24  : i32 {
      %parallel_loop3A_114 = vector.broadcast %parallel_loop3A_113 : i32 to vector<16xi32>
      %parallel_loop3A_115 = arith.addi %parallel_loop3A_114, %iota3A : vector<16xi32>
      %parallel_loop3A_116 = tpu.vector_load_idx %arg6[%parallel_loop3A_115] : memref<16384xi32, #tpu.memory_space<vmem>>[vector<16xi32>], vector<16xi32>,
      %parallel_loop3A_117 = tpu.vector_load_idx %arg8[%parallel_loop3A_115] : memref<16384xi32, #tpu.memory_space<vmem>>[vector<16xi32>], vector<16xi32>,
      %parallel_loop3A_118 = arith.constant 20 : i32
      %parallel_loop3A_119 = vector.broadcast %parallel_loop3A_118 : i32 to vector<16xi32>
      %parallel_loop3A_120 = arith.muli %parallel_loop3A_116, %parallel_loop3A_119 : vector<16xi32>
      %parallel_loop3A_121 = arith.addi %parallel_loop3A_120, %parallel_loop3A_117 : vector<16xi32>
      %parallel_loop3A_122 = arith.constant 16 : i32
      %parallel_loop3A_123 = vector.broadcast %parallel_loop3A_122 : i32 to vector<16xi32>
      %parallel_loop3A_124 = arith.muli %parallel_loop3A_121, %parallel_loop3A_123 : vector<16xi32>
      %parallel_loop3A_125 = arith.addi %parallel_loop3A_124, %iota3A : vector<16xi32>
      tpu.vector_store_idx %arg10[%parallel_loop3A_125], %broadcast_in_dim3A_5 {add = true} : memref<6400xf32, #tpu.memory_space<vmem>>[vector<16xi32>], vector<16xf32>,
    } {sc.loop_unroll_factor = 2 : i64, sc.parallel_access}
    %add3A_25 = arith.constant 32768 : i32
    %add3A_26 = arith.addi %mul3A_2, %add3A_25 : i32
    %dma_start3A_27 = tpu.memref_slice %arg2[%add3A_26] : memref<4194304xi32, #tpu.memory_space<hbm>> -> memref<16384xi32, #tpu.memory_space<hbm>>
    %dma_start3A_28 = tpu.memref_slice %arg2[%add3A_26] : memref<4194304xi32, #tpu.memory_space<hbm>> -> memref<16384xi32, #tpu.memory_space<hbm>>
    tpu.enqueue_dma source(%dma_start3A_28 : memref<16384xi32, #tpu.memory_space<hbm>>) target(%arg6 : memref<16384xi32, #tpu.memory_space<vmem>>) target_semaphore(%arg12 : memref<!tpu.dma_semaphore, #tpu.memory_space<semaphore_mem>>)
    %dma_start3A_29 = tpu.memref_slice %arg3[%add3A_26] : memref<4194304xi32, #tpu.memory_space<hbm>> -> memref<16384xi32, #tpu.memory_space<hbm>>
    %dma_start3A_30 = tpu.memref_slice %arg3[%add3A_26] : memref<4194304xi32, #tpu.memory_space<hbm>> -> memref<16384xi32, #tpu.memory_space<hbm>>
    tpu.enqueue_dma source(%dma_start3A_30 : memref<16384xi32, #tpu.memory_space<hbm>>) target(%arg8 : memref<16384xi32, #tpu.memory_space<vmem>>) target_semaphore(%arg12 : memref<!tpu.dma_semaphore, #tpu.memory_space<semaphore_mem>>)
    %dma_wait3A_31 = tpu.memref_slice %arg2[%add3A_14] : memref<4194304xi32, #tpu.memory_space<hbm>> -> memref<16384xi32, #tpu.memory_space<hbm>>
    %dma_wait3A_32 = tpu.memref_slice %arg2[%add3A_14] : memref<4194304xi32, #tpu.memory_space<hbm>> -> memref<16384xi32, #tpu.memory_space<hbm>>
    tpu.wait_dma2 semaphore(%arg13 : memref<!tpu.dma_semaphore, #tpu.memory_space<semaphore_mem>>) src(%dma_wait3A_32 : memref<16384xi32, #tpu.memory_space<hbm>>) dst(%arg7 : memref<16384xi32, #tpu.memory_space<vmem>>)
    %dma_wait3A_33 = tpu.memref_slice %arg3[%add3A_14] : memref<4194304xi32, #tpu.memory_space<hbm>> -> memref<16384xi32, #tpu.memory_space<hbm>>
    %dma_wait3A_34 = tpu.memref_slice %arg3[%add3A_14] : memref<4194304xi32, #tpu.memory_space<hbm>> -> memref<16384xi32, #tpu.memory_space<hbm>>
    tpu.wait_dma2 semaphore(%arg13 : memref<!tpu.dma_semaphore, #tpu.memory_space<semaphore_mem>>) src(%dma_wait3A_34 : memref<16384xi32, #tpu.memory_space<hbm>>) dst(%arg9 : memref<16384xi32, #tpu.memory_space<vmem>>)
    %parallel_loop3A_35 = arith.constant 0 : i32
    %parallel_loop3A_36 = arith.constant 16384 : i32
    %parallel_loop3A_37 = arith.constant 16 : i32
    scf.for %parallel_loop3A_113 = %parallel_loop3A_35 to %parallel_loop3A_36 step %parallel_loop3A_37  : i32 {
      %parallel_loop3A_114 = vector.broadcast %parallel_loop3A_113 : i32 to vector<16xi32>
      %parallel_loop3A_115 = arith.addi %parallel_loop3A_114, %iota3A : vector<16xi32>
      %parallel_loop3A_116 = tpu.vector_load_idx %arg7[%parallel_loop3A_115] : memref<16384xi32, #tpu.memory_space<vmem>>[vector<16xi32>], vector<16xi32>,
      %parallel_loop3A_117 = tpu.vector_load_idx %arg9[%parallel_loop3A_115] : memref<16384xi32, #tpu.memory_space<vmem>>[vector<16xi32>], vector<16xi32>,
      %parallel_loop3A_118 = arith.constant 20 : i32
      %parallel_loop3A_119 = vector.broadcast %parallel_loop3A_118 : i32 to vector<16xi32>
      %parallel_loop3A_120 = arith.muli %parallel_loop3A_116, %parallel_loop3A_119 : vector<16xi32>
      %parallel_loop3A_121 = arith.addi %parallel_loop3A_120, %parallel_loop3A_117 : vector<16xi32>
      %parallel_loop3A_122 = arith.constant 16 : i32
      %parallel_loop3A_123 = vector.broadcast %parallel_loop3A_122 : i32 to vector<16xi32>
      %parallel_loop3A_124 = arith.muli %parallel_loop3A_121, %parallel_loop3A_123 : vector<16xi32>
      %parallel_loop3A_125 = arith.addi %parallel_loop3A_124, %iota3A : vector<16xi32>
      tpu.vector_store_idx %arg10[%parallel_loop3A_125], %broadcast_in_dim3A_5 {add = true} : memref<6400xf32, #tpu.memory_space<vmem>>[vector<16xi32>], vector<16xf32>,
    } {sc.loop_unroll_factor = 2 : i64, sc.parallel_access}
    %add3A_38 = arith.constant 49152 : i32
    %add3A_39 = arith.addi %mul3A_2, %add3A_38 : i32
    %dma_start3A_40 = tpu.memref_slice %arg2[%add3A_39] : memref<4194304xi32, #tpu.memory_space<hbm>> -> memref<16384xi32, #tpu.memory_space<hbm>>
    %dma_start3A_41 = tpu.memref_slice %arg2[%add3A_39] : memref<4194304xi32, #tpu.memory_space<hbm>> -> memref<16384xi32, #tpu.memory_space<hbm>>
    tpu.enqueue_dma source(%dma_start3A_41 : memref<16384xi32, #tpu.memory_space<hbm>>) target(%arg7 : memref<16384xi32, #tpu.memory_space<vmem>>) target_semaphore(%arg13 : memref<!tpu.dma_semaphore, #tpu.memory_space<semaphore_mem>>)
    %dma_start3A_42 = tpu.memref_slice %arg3[%add3A_39] : memref<4194304xi32, #tpu.memory_space<hbm>> -> memref<16384xi32, #tpu.memory_space<hbm>>
    %dma_start3A_43 = tpu.memref_slice %arg3[%add3A_39] : memref<4194304xi32, #tpu.memory_space<hbm>> -> memref<16384xi32, #tpu.memory_space<hbm>>
    tpu.enqueue_dma source(%dma_start3A_43 : memref<16384xi32, #tpu.memory_space<hbm>>) target(%arg9 : memref<16384xi32, #tpu.memory_space<vmem>>) target_semaphore(%arg13 : memref<!tpu.dma_semaphore, #tpu.memory_space<semaphore_mem>>)
    %dma_wait3A_44 = tpu.memref_slice %arg2[%add3A_26] : memref<4194304xi32, #tpu.memory_space<hbm>> -> memref<16384xi32, #tpu.memory_space<hbm>>
    %dma_wait3A_45 = tpu.memref_slice %arg2[%add3A_26] : memref<4194304xi32, #tpu.memory_space<hbm>> -> memref<16384xi32, #tpu.memory_space<hbm>>
    tpu.wait_dma2 semaphore(%arg12 : memref<!tpu.dma_semaphore, #tpu.memory_space<semaphore_mem>>) src(%dma_wait3A_45 : memref<16384xi32, #tpu.memory_space<hbm>>) dst(%arg6 : memref<16384xi32, #tpu.memory_space<vmem>>)
    %dma_wait3A_46 = tpu.memref_slice %arg3[%add3A_26] : memref<4194304xi32, #tpu.memory_space<hbm>> -> memref<16384xi32, #tpu.memory_space<hbm>>
    %dma_wait3A_47 = tpu.memref_slice %arg3[%add3A_26] : memref<4194304xi32, #tpu.memory_space<hbm>> -> memref<16384xi32, #tpu.memory_space<hbm>>
    tpu.wait_dma2 semaphore(%arg12 : memref<!tpu.dma_semaphore, #tpu.memory_space<semaphore_mem>>) src(%dma_wait3A_47 : memref<16384xi32, #tpu.memory_space<hbm>>) dst(%arg8 : memref<16384xi32, #tpu.memory_space<vmem>>)
    %parallel_loop3A_48 = arith.constant 0 : i32
    %parallel_loop3A_49 = arith.constant 16384 : i32
    %parallel_loop3A_50 = arith.constant 16 : i32
    scf.for %parallel_loop3A_113 = %parallel_loop3A_48 to %parallel_loop3A_49 step %parallel_loop3A_50  : i32 {
      %parallel_loop3A_114 = vector.broadcast %parallel_loop3A_113 : i32 to vector<16xi32>
      %parallel_loop3A_115 = arith.addi %parallel_loop3A_114, %iota3A : vector<16xi32>
      %parallel_loop3A_116 = tpu.vector_load_idx %arg6[%parallel_loop3A_115] : memref<16384xi32, #tpu.memory_space<vmem>>[vector<16xi32>], vector<16xi32>,
      %parallel_loop3A_117 = tpu.vector_load_idx %arg8[%parallel_loop3A_115] : memref<16384xi32, #tpu.memory_space<vmem>>[vector<16xi32>], vector<16xi32>,
      %parallel_loop3A_118 = arith.constant 20 : i32
      %parallel_loop3A_119 = vector.broadcast %parallel_loop3A_118 : i32 to vector<16xi32>
      %parallel_loop3A_120 = arith.muli %parallel_loop3A_116, %parallel_loop3A_119 : vector<16xi32>
      %parallel_loop3A_121 = arith.addi %parallel_loop3A_120, %parallel_loop3A_117 : vector<16xi32>
      %parallel_loop3A_122 = arith.constant 16 : i32
      %parallel_loop3A_123 = vector.broadcast %parallel_loop3A_122 : i32 to vector<16xi32>
      %parallel_loop3A_124 = arith.muli %parallel_loop3A_121, %parallel_loop3A_123 : vector<16xi32>
      %parallel_loop3A_125 = arith.addi %parallel_loop3A_124, %iota3A : vector<16xi32>
      tpu.vector_store_idx %arg10[%parallel_loop3A_125], %broadcast_in_dim3A_5 {add = true} : memref<6400xf32, #tpu.memory_space<vmem>>[vector<16xi32>], vector<16xf32>,
    } {sc.loop_unroll_factor = 2 : i64, sc.parallel_access}
    %add3A_51 = arith.constant 65536 : i32
    %add3A_52 = arith.addi %mul3A_2, %add3A_51 : i32
    %dma_start3A_53 = tpu.memref_slice %arg2[%add3A_52] : memref<4194304xi32, #tpu.memory_space<hbm>> -> memref<16384xi32, #tpu.memory_space<hbm>>
    %dma_start3A_54 = tpu.memref_slice %arg2[%add3A_52] : memref<4194304xi32, #tpu.memory_space<hbm>> -> memref<16384xi32, #tpu.memory_space<hbm>>
    tpu.enqueue_dma source(%dma_start3A_54 : memref<16384xi32, #tpu.memory_space<hbm>>) target(%arg6 : memref<16384xi32, #tpu.memory_space<vmem>>) target_semaphore(%arg12 : memref<!tpu.dma_semaphore, #tpu.memory_space<semaphore_mem>>)
    %dma_start3A_55 = tpu.memref_slice %arg3[%add3A_52] : memref<4194304xi32, #tpu.memory_space<hbm>> -> memref<16384xi32, #tpu.memory_space<hbm>>
    %dma_start3A_56 = tpu.memref_slice %arg3[%add3A_52] : memref<4194304xi32, #tpu.memory_space<hbm>> -> memref<16384xi32, #tpu.memory_space<hbm>>
    tpu.enqueue_dma source(%dma_start3A_56 : memref<16384xi32, #tpu.memory_space<hbm>>) target(%arg8 : memref<16384xi32, #tpu.memory_space<vmem>>) target_semaphore(%arg12 : memref<!tpu.dma_semaphore, #tpu.memory_space<semaphore_mem>>)
    %dma_wait3A_57 = tpu.memref_slice %arg2[%add3A_39] : memref<4194304xi32, #tpu.memory_space<hbm>> -> memref<16384xi32, #tpu.memory_space<hbm>>
    %dma_wait3A_58 = tpu.memref_slice %arg2[%add3A_39] : memref<4194304xi32, #tpu.memory_space<hbm>> -> memref<16384xi32, #tpu.memory_space<hbm>>
    tpu.wait_dma2 semaphore(%arg13 : memref<!tpu.dma_semaphore, #tpu.memory_space<semaphore_mem>>) src(%dma_wait3A_58 : memref<16384xi32, #tpu.memory_space<hbm>>) dst(%arg7 : memref<16384xi32, #tpu.memory_space<vmem>>)
    %dma_wait3A_59 = tpu.memref_slice %arg3[%add3A_39] : memref<4194304xi32, #tpu.memory_space<hbm>> -> memref<16384xi32, #tpu.memory_space<hbm>>
    %dma_wait3A_60 = tpu.memref_slice %arg3[%add3A_39] : memref<4194304xi32, #tpu.memory_space<hbm>> -> memref<16384xi32, #tpu.memory_space<hbm>>
    tpu.wait_dma2 semaphore(%arg13 : memref<!tpu.dma_semaphore, #tpu.memory_space<semaphore_mem>>) src(%dma_wait3A_60 : memref<16384xi32, #tpu.memory_space<hbm>>) dst(%arg9 : memref<16384xi32, #tpu.memory_space<vmem>>)
    %parallel_loop3A_61 = arith.constant 0 : i32
    %parallel_loop3A_62 = arith.constant 16384 : i32
    %parallel_loop3A_63 = arith.constant 16 : i32
    scf.for %parallel_loop3A_113 = %parallel_loop3A_61 to %parallel_loop3A_62 step %parallel_loop3A_63  : i32 {
      %parallel_loop3A_114 = vector.broadcast %parallel_loop3A_113 : i32 to vector<16xi32>
      %parallel_loop3A_115 = arith.addi %parallel_loop3A_114, %iota3A : vector<16xi32>
      %parallel_loop3A_116 = tpu.vector_load_idx %arg7[%parallel_loop3A_115] : memref<16384xi32, #tpu.memory_space<vmem>>[vector<16xi32>], vector<16xi32>,
      %parallel_loop3A_117 = tpu.vector_load_idx %arg9[%parallel_loop3A_115] : memref<16384xi32, #tpu.memory_space<vmem>>[vector<16xi32>], vector<16xi32>,
      %parallel_loop3A_118 = arith.constant 20 : i32
      %parallel_loop3A_119 = vector.broadcast %parallel_loop3A_118 : i32 to vector<16xi32>
      %parallel_loop3A_120 = arith.muli %parallel_loop3A_116, %parallel_loop3A_119 : vector<16xi32>
      %parallel_loop3A_121 = arith.addi %parallel_loop3A_120, %parallel_loop3A_117 : vector<16xi32>
      %parallel_loop3A_122 = arith.constant 16 : i32
      %parallel_loop3A_123 = vector.broadcast %parallel_loop3A_122 : i32 to vector<16xi32>
      %parallel_loop3A_124 = arith.muli %parallel_loop3A_121, %parallel_loop3A_123 : vector<16xi32>
      %parallel_loop3A_125 = arith.addi %parallel_loop3A_124, %iota3A : vector<16xi32>
      tpu.vector_store_idx %arg10[%parallel_loop3A_125], %broadcast_in_dim3A_5 {add = true} : memref<6400xf32, #tpu.memory_space<vmem>>[vector<16xi32>], vector<16xf32>,
    } {sc.loop_unroll_factor = 2 : i64, sc.parallel_access}
    %add3A_64 = arith.constant 81920 : i32
    %add3A_65 = arith.addi %mul3A_2, %add3A_64 : i32
    %dma_start3A_66 = tpu.memref_slice %arg2[%add3A_65] : memref<4194304xi32, #tpu.memory_space<hbm>> -> memref<16384xi32, #tpu.memory_space<hbm>>
    %dma_start3A_67 = tpu.memref_slice %arg2[%add3A_65] : memref<4194304xi32, #tpu.memory_space<hbm>> -> memref<16384xi32, #tpu.memory_space<hbm>>
    tpu.enqueue_dma source(%dma_start3A_67 : memref<16384xi32, #tpu.memory_space<hbm>>) target(%arg7 : memref<16384xi32, #tpu.memory_space<vmem>>) target_semaphore(%arg13 : memref<!tpu.dma_semaphore, #tpu.memory_space<semaphore_mem>>)
    %dma_start3A_68 = tpu.memref_slice %arg3[%add3A_65] : memref<4194304xi32, #tpu.memory_space<hbm>> -> memref<16384xi32, #tpu.memory_space<hbm>>
    %dma_start3A_69 = tpu.memref_slice %arg3[%add3A_65] : memref<4194304xi32, #tpu.memory_space<hbm>> -> memref<16384xi32, #tpu.memory_space<hbm>>
    tpu.enqueue_dma source(%dma_start3A_69 : memref<16384xi32, #tpu.memory_space<hbm>>) target(%arg9 : memref<16384xi32, #tpu.memory_space<vmem>>) target_semaphore(%arg13 : memref<!tpu.dma_semaphore, #tpu.memory_space<semaphore_mem>>)
    %dma_wait3A_70 = tpu.memref_slice %arg2[%add3A_52] : memref<4194304xi32, #tpu.memory_space<hbm>> -> memref<16384xi32, #tpu.memory_space<hbm>>
    %dma_wait3A_71 = tpu.memref_slice %arg2[%add3A_52] : memref<4194304xi32, #tpu.memory_space<hbm>> -> memref<16384xi32, #tpu.memory_space<hbm>>
    tpu.wait_dma2 semaphore(%arg12 : memref<!tpu.dma_semaphore, #tpu.memory_space<semaphore_mem>>) src(%dma_wait3A_71 : memref<16384xi32, #tpu.memory_space<hbm>>) dst(%arg6 : memref<16384xi32, #tpu.memory_space<vmem>>)
    %dma_wait3A_72 = tpu.memref_slice %arg3[%add3A_52] : memref<4194304xi32, #tpu.memory_space<hbm>> -> memref<16384xi32, #tpu.memory_space<hbm>>
    %dma_wait3A_73 = tpu.memref_slice %arg3[%add3A_52] : memref<4194304xi32, #tpu.memory_space<hbm>> -> memref<16384xi32, #tpu.memory_space<hbm>>
    tpu.wait_dma2 semaphore(%arg12 : memref<!tpu.dma_semaphore, #tpu.memory_space<semaphore_mem>>) src(%dma_wait3A_73 : memref<16384xi32, #tpu.memory_space<hbm>>) dst(%arg8 : memref<16384xi32, #tpu.memory_space<vmem>>)
    %parallel_loop3A_74 = arith.constant 0 : i32
    %parallel_loop3A_75 = arith.constant 16384 : i32
    %parallel_loop3A_76 = arith.constant 16 : i32
    scf.for %parallel_loop3A_113 = %parallel_loop3A_74 to %parallel_loop3A_75 step %parallel_loop3A_76  : i32 {
      %parallel_loop3A_114 = vector.broadcast %parallel_loop3A_113 : i32 to vector<16xi32>
      %parallel_loop3A_115 = arith.addi %parallel_loop3A_114, %iota3A : vector<16xi32>
      %parallel_loop3A_116 = tpu.vector_load_idx %arg6[%parallel_loop3A_115] : memref<16384xi32, #tpu.memory_space<vmem>>[vector<16xi32>], vector<16xi32>,
      %parallel_loop3A_117 = tpu.vector_load_idx %arg8[%parallel_loop3A_115] : memref<16384xi32, #tpu.memory_space<vmem>>[vector<16xi32>], vector<16xi32>,
      %parallel_loop3A_118 = arith.constant 20 : i32
      %parallel_loop3A_119 = vector.broadcast %parallel_loop3A_118 : i32 to vector<16xi32>
      %parallel_loop3A_120 = arith.muli %parallel_loop3A_116, %parallel_loop3A_119 : vector<16xi32>
      %parallel_loop3A_121 = arith.addi %parallel_loop3A_120, %parallel_loop3A_117 : vector<16xi32>
      %parallel_loop3A_122 = arith.constant 16 : i32
      %parallel_loop3A_123 = vector.broadcast %parallel_loop3A_122 : i32 to vector<16xi32>
      %parallel_loop3A_124 = arith.muli %parallel_loop3A_121, %parallel_loop3A_123 : vector<16xi32>
      %parallel_loop3A_125 = arith.addi %parallel_loop3A_124, %iota3A : vector<16xi32>
      tpu.vector_store_idx %arg10[%parallel_loop3A_125], %broadcast_in_dim3A_5 {add = true} : memref<6400xf32, #tpu.memory_space<vmem>>[vector<16xi32>], vector<16xf32>,
    } {sc.loop_unroll_factor = 2 : i64, sc.parallel_access}
    %add3A_77 = arith.constant 98304 : i32
    %add3A_78 = arith.addi %mul3A_2, %add3A_77 : i32
    %dma_start3A_79 = tpu.memref_slice %arg2[%add3A_78] : memref<4194304xi32, #tpu.memory_space<hbm>> -> memref<16384xi32, #tpu.memory_space<hbm>>
    %dma_start3A_80 = tpu.memref_slice %arg2[%add3A_78] : memref<4194304xi32, #tpu.memory_space<hbm>> -> memref<16384xi32, #tpu.memory_space<hbm>>
    tpu.enqueue_dma source(%dma_start3A_80 : memref<16384xi32, #tpu.memory_space<hbm>>) target(%arg6 : memref<16384xi32, #tpu.memory_space<vmem>>) target_semaphore(%arg12 : memref<!tpu.dma_semaphore, #tpu.memory_space<semaphore_mem>>)
    %dma_start3A_81 = tpu.memref_slice %arg3[%add3A_78] : memref<4194304xi32, #tpu.memory_space<hbm>> -> memref<16384xi32, #tpu.memory_space<hbm>>
    %dma_start3A_82 = tpu.memref_slice %arg3[%add3A_78] : memref<4194304xi32, #tpu.memory_space<hbm>> -> memref<16384xi32, #tpu.memory_space<hbm>>
    tpu.enqueue_dma source(%dma_start3A_82 : memref<16384xi32, #tpu.memory_space<hbm>>) target(%arg8 : memref<16384xi32, #tpu.memory_space<vmem>>) target_semaphore(%arg12 : memref<!tpu.dma_semaphore, #tpu.memory_space<semaphore_mem>>)
    %dma_wait3A_83 = tpu.memref_slice %arg2[%add3A_65] : memref<4194304xi32, #tpu.memory_space<hbm>> -> memref<16384xi32, #tpu.memory_space<hbm>>
    %dma_wait3A_84 = tpu.memref_slice %arg2[%add3A_65] : memref<4194304xi32, #tpu.memory_space<hbm>> -> memref<16384xi32, #tpu.memory_space<hbm>>
    tpu.wait_dma2 semaphore(%arg13 : memref<!tpu.dma_semaphore, #tpu.memory_space<semaphore_mem>>) src(%dma_wait3A_84 : memref<16384xi32, #tpu.memory_space<hbm>>) dst(%arg7 : memref<16384xi32, #tpu.memory_space<vmem>>)
    %dma_wait3A_85 = tpu.memref_slice %arg3[%add3A_65] : memref<4194304xi32, #tpu.memory_space<hbm>> -> memref<16384xi32, #tpu.memory_space<hbm>>
    %dma_wait3A_86 = tpu.memref_slice %arg3[%add3A_65] : memref<4194304xi32, #tpu.memory_space<hbm>> -> memref<16384xi32, #tpu.memory_space<hbm>>
    tpu.wait_dma2 semaphore(%arg13 : memref<!tpu.dma_semaphore, #tpu.memory_space<semaphore_mem>>) src(%dma_wait3A_86 : memref<16384xi32, #tpu.memory_space<hbm>>) dst(%arg9 : memref<16384xi32, #tpu.memory_space<vmem>>)
    %parallel_loop3A_87 = arith.constant 0 : i32
    %parallel_loop3A_88 = arith.constant 16384 : i32
    %parallel_loop3A_89 = arith.constant 16 : i32
    scf.for %parallel_loop3A_113 = %parallel_loop3A_87 to %parallel_loop3A_88 step %parallel_loop3A_89  : i32 {
      %parallel_loop3A_114 = vector.broadcast %parallel_loop3A_113 : i32 to vector<16xi32>
      %parallel_loop3A_115 = arith.addi %parallel_loop3A_114, %iota3A : vector<16xi32>
      %parallel_loop3A_116 = tpu.vector_load_idx %arg7[%parallel_loop3A_115] : memref<16384xi32, #tpu.memory_space<vmem>>[vector<16xi32>], vector<16xi32>,
      %parallel_loop3A_117 = tpu.vector_load_idx %arg9[%parallel_loop3A_115] : memref<16384xi32, #tpu.memory_space<vmem>>[vector<16xi32>], vector<16xi32>,
      %parallel_loop3A_118 = arith.constant 20 : i32
      %parallel_loop3A_119 = vector.broadcast %parallel_loop3A_118 : i32 to vector<16xi32>
      %parallel_loop3A_120 = arith.muli %parallel_loop3A_116, %parallel_loop3A_119 : vector<16xi32>
      %parallel_loop3A_121 = arith.addi %parallel_loop3A_120, %parallel_loop3A_117 : vector<16xi32>
      %parallel_loop3A_122 = arith.constant 16 : i32
      %parallel_loop3A_123 = vector.broadcast %parallel_loop3A_122 : i32 to vector<16xi32>
      %parallel_loop3A_124 = arith.muli %parallel_loop3A_121, %parallel_loop3A_123 : vector<16xi32>
      %parallel_loop3A_125 = arith.addi %parallel_loop3A_124, %iota3A : vector<16xi32>
      tpu.vector_store_idx %arg10[%parallel_loop3A_125], %broadcast_in_dim3A_5 {add = true} : memref<6400xf32, #tpu.memory_space<vmem>>[vector<16xi32>], vector<16xf32>,
    } {sc.loop_unroll_factor = 2 : i64, sc.parallel_access}
    %add3A_90 = arith.constant 114688 : i32
    %add3A_91 = arith.addi %mul3A_2, %add3A_90 : i32
    %dma_start3A_92 = tpu.memref_slice %arg2[%add3A_91] : memref<4194304xi32, #tpu.memory_space<hbm>> -> memref<16384xi32, #tpu.memory_space<hbm>>
    %dma_start3A_93 = tpu.memref_slice %arg2[%add3A_91] : memref<4194304xi32, #tpu.memory_space<hbm>> -> memref<16384xi32, #tpu.memory_space<hbm>>
    tpu.enqueue_dma source(%dma_start3A_93 : memref<16384xi32, #tpu.memory_space<hbm>>) target(%arg7 : memref<16384xi32, #tpu.memory_space<vmem>>) target_semaphore(%arg13 : memref<!tpu.dma_semaphore, #tpu.memory_space<semaphore_mem>>)
    %dma_start3A_94 = tpu.memref_slice %arg3[%add3A_91] : memref<4194304xi32, #tpu.memory_space<hbm>> -> memref<16384xi32, #tpu.memory_space<hbm>>
    %dma_start3A_95 = tpu.memref_slice %arg3[%add3A_91] : memref<4194304xi32, #tpu.memory_space<hbm>> -> memref<16384xi32, #tpu.memory_space<hbm>>
    tpu.enqueue_dma source(%dma_start3A_95 : memref<16384xi32, #tpu.memory_space<hbm>>) target(%arg9 : memref<16384xi32, #tpu.memory_space<vmem>>) target_semaphore(%arg13 : memref<!tpu.dma_semaphore, #tpu.memory_space<semaphore_mem>>)
    %dma_wait3A_96 = tpu.memref_slice %arg2[%add3A_78] : memref<4194304xi32, #tpu.memory_space<hbm>> -> memref<16384xi32, #tpu.memory_space<hbm>>
    %dma_wait3A_97 = tpu.memref_slice %arg2[%add3A_78] : memref<4194304xi32, #tpu.memory_space<hbm>> -> memref<16384xi32, #tpu.memory_space<hbm>>
    tpu.wait_dma2 semaphore(%arg12 : memref<!tpu.dma_semaphore, #tpu.memory_space<semaphore_mem>>) src(%dma_wait3A_97 : memref<16384xi32, #tpu.memory_space<hbm>>) dst(%arg6 : memref<16384xi32, #tpu.memory_space<vmem>>)
    %dma_wait3A_98 = tpu.memref_slice %arg3[%add3A_78] : memref<4194304xi32, #tpu.memory_space<hbm>> -> memref<16384xi32, #tpu.memory_space<hbm>>
    %dma_wait3A_99 = tpu.memref_slice %arg3[%add3A_78] : memref<4194304xi32, #tpu.memory_space<hbm>> -> memref<16384xi32, #tpu.memory_space<hbm>>
    tpu.wait_dma2 semaphore(%arg12 : memref<!tpu.dma_semaphore, #tpu.memory_space<semaphore_mem>>) src(%dma_wait3A_99 : memref<16384xi32, #tpu.memory_space<hbm>>) dst(%arg8 : memref<16384xi32, #tpu.memory_space<vmem>>)
    %parallel_loop3A_100 = arith.constant 0 : i32
    %parallel_loop3A_101 = arith.constant 16384 : i32
    %parallel_loop3A_102 = arith.constant 16 : i32
    scf.for %parallel_loop3A_113 = %parallel_loop3A_100 to %parallel_loop3A_101 step %parallel_loop3A_102  : i32 {
      %parallel_loop3A_114 = vector.broadcast %parallel_loop3A_113 : i32 to vector<16xi32>
      %parallel_loop3A_115 = arith.addi %parallel_loop3A_114, %iota3A : vector<16xi32>
      %parallel_loop3A_116 = tpu.vector_load_idx %arg6[%parallel_loop3A_115] : memref<16384xi32, #tpu.memory_space<vmem>>[vector<16xi32>], vector<16xi32>,
      %parallel_loop3A_117 = tpu.vector_load_idx %arg8[%parallel_loop3A_115] : memref<16384xi32, #tpu.memory_space<vmem>>[vector<16xi32>], vector<16xi32>,
      %parallel_loop3A_118 = arith.constant 20 : i32
      %parallel_loop3A_119 = vector.broadcast %parallel_loop3A_118 : i32 to vector<16xi32>
      %parallel_loop3A_120 = arith.muli %parallel_loop3A_116, %parallel_loop3A_119 : vector<16xi32>
      %parallel_loop3A_121 = arith.addi %parallel_loop3A_120, %parallel_loop3A_117 : vector<16xi32>
      %parallel_loop3A_122 = arith.constant 16 : i32
      %parallel_loop3A_123 = vector.broadcast %parallel_loop3A_122 : i32 to vector<16xi32>
      %parallel_loop3A_124 = arith.muli %parallel_loop3A_121, %parallel_loop3A_123 : vector<16xi32>
      %parallel_loop3A_125 = arith.addi %parallel_loop3A_124, %iota3A : vector<16xi32>
      tpu.vector_store_idx %arg10[%parallel_loop3A_125], %broadcast_in_dim3A_5 {add = true} : memref<6400xf32, #tpu.memory_space<vmem>>[vector<16xi32>], vector<16xf32>,
    } {sc.loop_unroll_factor = 2 : i64, sc.parallel_access}
    %dma_wait3A_103 = tpu.memref_slice %arg2[%add3A_91] : memref<4194304xi32, #tpu.memory_space<hbm>> -> memref<16384xi32, #tpu.memory_space<hbm>>
    %dma_wait3A_104 = tpu.memref_slice %arg2[%add3A_91] : memref<4194304xi32, #tpu.memory_space<hbm>> -> memref<16384xi32, #tpu.memory_space<hbm>>
    tpu.wait_dma2 semaphore(%arg13 : memref<!tpu.dma_semaphore, #tpu.memory_space<semaphore_mem>>) src(%dma_wait3A_104 : memref<16384xi32, #tpu.memory_space<hbm>>) dst(%arg7 : memref<16384xi32, #tpu.memory_space<vmem>>)
    %dma_wait3A_105 = tpu.memref_slice %arg3[%add3A_91] : memref<4194304xi32, #tpu.memory_space<hbm>> -> memref<16384xi32, #tpu.memory_space<hbm>>
    %dma_wait3A_106 = tpu.memref_slice %arg3[%add3A_91] : memref<4194304xi32, #tpu.memory_space<hbm>> -> memref<16384xi32, #tpu.memory_space<hbm>>
    tpu.wait_dma2 semaphore(%arg13 : memref<!tpu.dma_semaphore, #tpu.memory_space<semaphore_mem>>) src(%dma_wait3A_106 : memref<16384xi32, #tpu.memory_space<hbm>>) dst(%arg9 : memref<16384xi32, #tpu.memory_space<vmem>>)
    %parallel_loop3A_107 = arith.constant 0 : i32
    %parallel_loop3A_108 = arith.constant 16384 : i32
    %parallel_loop3A_109 = arith.constant 16 : i32
    scf.for %parallel_loop3A_113 = %parallel_loop3A_107 to %parallel_loop3A_108 step %parallel_loop3A_109  : i32 {
      %parallel_loop3A_114 = vector.broadcast %parallel_loop3A_113 : i32 to vector<16xi32>
      %parallel_loop3A_115 = arith.addi %parallel_loop3A_114, %iota3A : vector<16xi32>
      %parallel_loop3A_116 = tpu.vector_load_idx %arg7[%parallel_loop3A_115] : memref<16384xi32, #tpu.memory_space<vmem>>[vector<16xi32>], vector<16xi32>,
      %parallel_loop3A_117 = tpu.vector_load_idx %arg9[%parallel_loop3A_115] : memref<16384xi32, #tpu.memory_space<vmem>>[vector<16xi32>], vector<16xi32>,
      %parallel_loop3A_118 = arith.constant 20 : i32
      %parallel_loop3A_119 = vector.broadcast %parallel_loop3A_118 : i32 to vector<16xi32>
      %parallel_loop3A_120 = arith.muli %parallel_loop3A_116, %parallel_loop3A_119 : vector<16xi32>
      %parallel_loop3A_121 = arith.addi %parallel_loop3A_120, %parallel_loop3A_117 : vector<16xi32>
      %parallel_loop3A_122 = arith.constant 16 : i32
      %parallel_loop3A_123 = vector.broadcast %parallel_loop3A_122 : i32 to vector<16xi32>
      %parallel_loop3A_124 = arith.muli %parallel_loop3A_121, %parallel_loop3A_123 : vector<16xi32>
      %parallel_loop3A_125 = arith.addi %parallel_loop3A_124, %iota3A : vector<16xi32>
      tpu.vector_store_idx %arg10[%parallel_loop3A_125], %broadcast_in_dim3A_5 {add = true} : memref<6400xf32, #tpu.memory_space<vmem>>[vector<16xi32>], vector<16xf32>,
    } {sc.loop_unroll_factor = 2 : i64, sc.parallel_access}
    %parallel_loop3A_110 = arith.constant 0 : i32
    %parallel_loop3A_111 = arith.constant 25 : i32
    %parallel_loop3A_112 = arith.constant 1 : i32
    scf.for %parallel_loop3A_113 = %parallel_loop3A_110 to %parallel_loop3A_111 step %parallel_loop3A_112  : i32 {
      %parallel_loop3A_114 = arith.constant 16 : i32
      %parallel_loop3A_115 = arith.muli %parallel_loop3A_113, %parallel_loop3A_114 : i32
      %parallel_loop3A_116 = vector.broadcast %parallel_loop3A_115 : i32 to vector<16xi32>
      %parallel_loop3A_117 = arith.addi %parallel_loop3A_116, %iota3A : vector<16xi32>
      %parallel_loop3A_118 = arith.constant 16 : i32
      %parallel_loop3A_119 = vector.broadcast %parallel_loop3A_118 : i32 to vector<16xi32>
      %parallel_loop3A_120 = arith.muli %parallel_loop3A_117, %parallel_loop3A_119 : vector<16xi32>
      %parallel_loop3A_121 = arith.constant 0 : i32
      %parallel_loop3A_122 = vector.broadcast %parallel_loop3A_121 : i32 to vector<16xi32>
      %parallel_loop3A_123 = arith.addi %parallel_loop3A_120, %parallel_loop3A_122 : vector<16xi32>
      %parallel_loop3A_124 = tpu.vector_load_idx %arg10[%parallel_loop3A_123] : memref<6400xf32, #tpu.memory_space<vmem>>[vector<16xi32>], vector<16xf32>,
      %parallel_loop3A_125 = arith.constant 1 : i32
      %parallel_loop3A_126 = vector.broadcast %parallel_loop3A_125 : i32 to vector<16xi32>
      %parallel_loop3A_127 = arith.addi %parallel_loop3A_120, %parallel_loop3A_126 : vector<16xi32>
      %parallel_loop3A_128 = tpu.vector_load_idx %arg10[%parallel_loop3A_127] : memref<6400xf32, #tpu.memory_space<vmem>>[vector<16xi32>], vector<16xf32>,
      %parallel_loop3A_129 = arith.constant 2 : i32
      %parallel_loop3A_130 = vector.broadcast %parallel_loop3A_129 : i32 to vector<16xi32>
      %parallel_loop3A_131 = arith.addi %parallel_loop3A_120, %parallel_loop3A_130 : vector<16xi32>
      %parallel_loop3A_132 = tpu.vector_load_idx %arg10[%parallel_loop3A_131] : memref<6400xf32, #tpu.memory_space<vmem>>[vector<16xi32>], vector<16xf32>,
      %parallel_loop3A_133 = arith.constant 3 : i32
      %parallel_loop3A_134 = vector.broadcast %parallel_loop3A_133 : i32 to vector<16xi32>
      %parallel_loop3A_135 = arith.addi %parallel_loop3A_120, %parallel_loop3A_134 : vector<16xi32>
      %parallel_loop3A_136 = tpu.vector_load_idx %arg10[%parallel_loop3A_135] : memref<6400xf32, #tpu.memory_space<vmem>>[vector<16xi32>], vector<16xf32>,
      %parallel_loop3A_137 = arith.constant 4 : i32
      %parallel_loop3A_138 = vector.broadcast %parallel_loop3A_137 : i32 to vector<16xi32>
      %parallel_loop3A_139 = arith.addi %parallel_loop3A_120, %parallel_loop3A_138 : vector<16xi32>
      %parallel_loop3A_140 = tpu.vector_load_idx %arg10[%parallel_loop3A_139] : memref<6400xf32, #tpu.memory_space<vmem>>[vector<16xi32>], vector<16xf32>,
      %parallel_loop3A_141 = arith.constant 5 : i32
      %parallel_loop3A_142 = vector.broadcast %parallel_loop3A_141 : i32 to vector<16xi32>
      %parallel_loop3A_143 = arith.addi %parallel_loop3A_120, %parallel_loop3A_142 : vector<16xi32>
      %parallel_loop3A_144 = tpu.vector_load_idx %arg10[%parallel_loop3A_143] : memref<6400xf32, #tpu.memory_space<vmem>>[vector<16xi32>], vector<16xf32>,
      %parallel_loop3A_145 = arith.constant 6 : i32
      %parallel_loop3A_146 = vector.broadcast %parallel_loop3A_145 : i32 to vector<16xi32>
      %parallel_loop3A_147 = arith.addi %parallel_loop3A_120, %parallel_loop3A_146 : vector<16xi32>
      %parallel_loop3A_148 = tpu.vector_load_idx %arg10[%parallel_loop3A_147] : memref<6400xf32, #tpu.memory_space<vmem>>[vector<16xi32>], vector<16xf32>,
      %parallel_loop3A_149 = arith.constant 7 : i32
      %parallel_loop3A_150 = vector.broadcast %parallel_loop3A_149 : i32 to vector<16xi32>
      %parallel_loop3A_151 = arith.addi %parallel_loop3A_120, %parallel_loop3A_150 : vector<16xi32>
      %parallel_loop3A_152 = tpu.vector_load_idx %arg10[%parallel_loop3A_151] : memref<6400xf32, #tpu.memory_space<vmem>>[vector<16xi32>], vector<16xf32>,
      %parallel_loop3A_153 = arith.constant 8 : i32
      %parallel_loop3A_154 = vector.broadcast %parallel_loop3A_153 : i32 to vector<16xi32>
      %parallel_loop3A_155 = arith.addi %parallel_loop3A_120, %parallel_loop3A_154 : vector<16xi32>
      %parallel_loop3A_156 = tpu.vector_load_idx %arg10[%parallel_loop3A_155] : memref<6400xf32, #tpu.memory_space<vmem>>[vector<16xi32>], vector<16xf32>,
      %parallel_loop3A_157 = arith.constant 9 : i32
      %parallel_loop3A_158 = vector.broadcast %parallel_loop3A_157 : i32 to vector<16xi32>
      %parallel_loop3A_159 = arith.addi %parallel_loop3A_120, %parallel_loop3A_158 : vector<16xi32>
      %parallel_loop3A_160 = tpu.vector_load_idx %arg10[%parallel_loop3A_159] : memref<6400xf32, #tpu.memory_space<vmem>>[vector<16xi32>], vector<16xf32>,
      %parallel_loop3A_161 = arith.constant 10 : i32
      %parallel_loop3A_162 = vector.broadcast %parallel_loop3A_161 : i32 to vector<16xi32>
      %parallel_loop3A_163 = arith.addi %parallel_loop3A_120, %parallel_loop3A_162 : vector<16xi32>
      %parallel_loop3A_164 = tpu.vector_load_idx %arg10[%parallel_loop3A_163] : memref<6400xf32, #tpu.memory_space<vmem>>[vector<16xi32>], vector<16xf32>,
      %parallel_loop3A_165 = arith.constant 11 : i32
      %parallel_loop3A_166 = vector.broadcast %parallel_loop3A_165 : i32 to vector<16xi32>
      %parallel_loop3A_167 = arith.addi %parallel_loop3A_120, %parallel_loop3A_166 : vector<16xi32>
      %parallel_loop3A_168 = tpu.vector_load_idx %arg10[%parallel_loop3A_167] : memref<6400xf32, #tpu.memory_space<vmem>>[vector<16xi32>], vector<16xf32>,
      %parallel_loop3A_169 = arith.constant 12 : i32
      %parallel_loop3A_170 = vector.broadcast %parallel_loop3A_169 : i32 to vector<16xi32>
      %parallel_loop3A_171 = arith.addi %parallel_loop3A_120, %parallel_loop3A_170 : vector<16xi32>
      %parallel_loop3A_172 = tpu.vector_load_idx %arg10[%parallel_loop3A_171] : memref<6400xf32, #tpu.memory_space<vmem>>[vector<16xi32>], vector<16xf32>,
      %parallel_loop3A_173 = arith.constant 13 : i32
      %parallel_loop3A_174 = vector.broadcast %parallel_loop3A_173 : i32 to vector<16xi32>
      %parallel_loop3A_175 = arith.addi %parallel_loop3A_120, %parallel_loop3A_174 : vector<16xi32>
      %parallel_loop3A_176 = tpu.vector_load_idx %arg10[%parallel_loop3A_175] : memref<6400xf32, #tpu.memory_space<vmem>>[vector<16xi32>], vector<16xf32>,
      %parallel_loop3A_177 = arith.constant 14 : i32
      %parallel_loop3A_178 = vector.broadcast %parallel_loop3A_177 : i32 to vector<16xi32>
      %parallel_loop3A_179 = arith.addi %parallel_loop3A_120, %parallel_loop3A_178 : vector<16xi32>
      %parallel_loop3A_180 = tpu.vector_load_idx %arg10[%parallel_loop3A_179] : memref<6400xf32, #tpu.memory_space<vmem>>[vector<16xi32>], vector<16xf32>,
      %parallel_loop3A_181 = arith.constant 15 : i32
      %parallel_loop3A_182 = vector.broadcast %parallel_loop3A_181 : i32 to vector<16xi32>
      %parallel_loop3A_183 = arith.addi %parallel_loop3A_120, %parallel_loop3A_182 : vector<16xi32>
      %parallel_loop3A_184 = tpu.vector_load_idx %arg10[%parallel_loop3A_183] : memref<6400xf32, #tpu.memory_space<vmem>>[vector<16xi32>], vector<16xf32>,
      %parallel_loop3A_185 = arith.addf %parallel_loop3A_124, %parallel_loop3A_128 : vector<16xf32>
      %parallel_loop3A_186 = arith.addf %parallel_loop3A_132, %parallel_loop3A_136 : vector<16xf32>
      %parallel_loop3A_187 = arith.addf %parallel_loop3A_140, %parallel_loop3A_144 : vector<16xf32>
      %parallel_loop3A_188 = arith.addf %parallel_loop3A_148, %parallel_loop3A_152 : vector<16xf32>
      %parallel_loop3A_189 = arith.addf %parallel_loop3A_156, %parallel_loop3A_160 : vector<16xf32>
      %parallel_loop3A_190 = arith.addf %parallel_loop3A_164, %parallel_loop3A_168 : vector<16xf32>
      %parallel_loop3A_191 = arith.addf %parallel_loop3A_172, %parallel_loop3A_176 : vector<16xf32>
      %parallel_loop3A_192 = arith.addf %parallel_loop3A_180, %parallel_loop3A_184 : vector<16xf32>
      %parallel_loop3A_193 = arith.addf %parallel_loop3A_185, %parallel_loop3A_186 : vector<16xf32>
      %parallel_loop3A_194 = arith.addf %parallel_loop3A_187, %parallel_loop3A_188 : vector<16xf32>
      %parallel_loop3A_195 = arith.addf %parallel_loop3A_189, %parallel_loop3A_190 : vector<16xf32>
      %parallel_loop3A_196 = arith.addf %parallel_loop3A_191, %parallel_loop3A_192 : vector<16xf32>
      %parallel_loop3A_197 = arith.addf %parallel_loop3A_193, %parallel_loop3A_194 : vector<16xf32>
      %parallel_loop3A_198 = arith.addf %parallel_loop3A_195, %parallel_loop3A_196 : vector<16xf32>
      %parallel_loop3A_199 = arith.addf %parallel_loop3A_197, %parallel_loop3A_198 : vector<16xf32>
      %parallel_loop3A_200 = arith.constant 16 : i32
      %parallel_loop3A_201 = arith.muli %parallel_loop3A_113, %parallel_loop3A_200 : i32
      %parallel_loop3A_202 = arith.index_cast %parallel_loop3A_201 : i32 to index
      %parallel_loop3A_203 = tpu.vector_load %arg11[%parallel_loop3A_202] {strides = array<i32>} : memref<400xf32, #tpu.memory_space<vmem>>, vector<16xf32>,
      tpu.vector_store %arg11[%parallel_loop3A_202], %parallel_loop3A_199 {strides = array<i32>} : memref<400xf32, #tpu.memory_space<vmem>>, vector<16xf32>,
    } {sc.loop_unroll_factor = 5 : i64, sc.parallel_access}
    "tpu.region"() ({
      %run_scoped3A = tpu.sem_alloc : memref<!tpu.dma_semaphore, #tpu.memory_space<semaphore_mem>>
      %dma_start3A_113 = arith.constant 0 : i32
      %dma_start3A_114 = tpu.memref_slice %arg5[%add3A, %dma_start3A_113] : memref<32x400xf32, #tpu.memory_space<hbm>> -> memref<1x400xf32, #tpu.memory_space<hbm>>
      %dma_start3A_115 = tpu.memref_squeeze %dma_start3A_114 : memref<1x400xf32, #tpu.memory_space<hbm>> -> memref<400xf32, #tpu.memory_space<hbm>>
      %dma_start3A_116 = arith.constant 0 : i32
      %dma_start3A_117 = tpu.memref_slice %arg5[%add3A, %dma_start3A_116] : memref<32x400xf32, #tpu.memory_space<hbm>> -> memref<1x400xf32, #tpu.memory_space<hbm>>
      %dma_start3A_118 = tpu.memref_squeeze %dma_start3A_117 : memref<1x400xf32, #tpu.memory_space<hbm>> -> memref<400xf32, #tpu.memory_space<hbm>>
      tpu.enqueue_dma source(%arg11 : memref<400xf32, #tpu.memory_space<vmem>>) target(%dma_start3A_118 : memref<400xf32, #tpu.memory_space<hbm>>) target_semaphore(%run_scoped3A : memref<!tpu.dma_semaphore, #tpu.memory_space<semaphore_mem>>)
      %dma_wait3A_119 = arith.constant 0 : i32
      %dma_wait3A_120 = tpu.memref_slice %arg5[%add3A, %dma_wait3A_119] : memref<32x400xf32, #tpu.memory_space<hbm>> -> memref<1x400xf32, #tpu.memory_space<hbm>>
      %dma_wait3A_121 = tpu.memref_squeeze %dma_wait3A_120 : memref<1x400xf32, #tpu.memory_space<hbm>> -> memref<400xf32, #tpu.memory_space<hbm>>
      %dma_wait3A_122 = arith.constant 0 : i32
      %dma_wait3A_123 = tpu.memref_slice %arg5[%add3A, %dma_wait3A_122] : memref<32x400xf32, #tpu.memory_space<hbm>> -> memref<1x400xf32, #tpu.memory_space<hbm>>
      %dma_wait3A_124 = tpu.memref_squeeze %dma_wait3A_123 : memref<1x400xf32, #tpu.memory_space<hbm>> -> memref<400xf32, #tpu.memory_space<hbm>>
      tpu.wait_dma2 semaphore(%run_scoped3A : memref<!tpu.dma_semaphore, #tpu.memory_space<semaphore_mem>>) src(%arg11 : memref<400xf32, #tpu.memory_space<vmem>>) dst(%dma_wait3A_124 : memref<400xf32, #tpu.memory_space<hbm>>)
      tpu.yield
    }) : () -> ()
    return
  }
}

module attributes {stable_mosaic.version = 14 : i64} {
  func.func @_iou_body(%arg0: memref<32x20x20xf32, #tpu.memory_space<vmem>>, %arg1: memref<20xf32, #tpu.memory_space<vmem>>, %arg2: memref<1x1xf32, #tpu.memory_space<vmem>>) attributes {dimension_semantics = [], scalar_prefetch = 0 : i64, scratch_operands = 0 : i64, tpu.core_type = #tpu.core_type<tc>} {
    %get3A = arith.constant 0 : index
    %get3A_0 = arith.constant 0 : index
    %get3A_1 = arith.constant 0 : index
    %get3A_2 = vector.load %arg0[%get3A, %get3A_0, %get3A_1] : memref<32x20x20xf32, #tpu.memory_space<vmem>>, vector<32x20x20xf32>
    %reduce_sum3A = arith.constant dense<0.000000e+00> : vector<20x20xf32>
    %reduce_sum3A_3 = vector.multi_reduction <add>, %get3A_2, %reduce_sum3A [0] : vector<32x20x20xf32> to vector<20x20xf32>
    %iota3A = tpu.iota {dimensions = array<i32: 0>} : vector<20x20xi32>
    %iota3A_4 = tpu.iota {dimensions = array<i32: 1>} : vector<20x20xi32>
    %ne3A = arith.constant 0 : i32
    %ne3A_5 = vector.broadcast %ne3A : i32 to vector<20x20xi32>
    %ne3A_6 = arith.cmpi ne, %iota3A, %ne3A_5 : vector<20x20xi32>
    %ne3A_7 = arith.constant 0 : i32
    %ne3A_8 = vector.broadcast %ne3A_7 : i32 to vector<20x20xi32>
    %ne3A_9 = arith.cmpi ne, %iota3A_4, %ne3A_8 : vector<20x20xi32>
    %and3A = arith.andi %ne3A_6, %ne3A_9 : vector<20x20xi1>
    %jit3A = arith.constant 0.000000e+00 : f32
    %broadcast_in_dim3A = vector.broadcast %jit3A : f32 to vector<20x20xf32>
    %select_n3A = arith.select %and3A, %reduce_sum3A_3, %broadcast_in_dim3A : vector<20x20xi1>, vector<20x20xf32>
    %eq3A = arith.cmpi eq, %iota3A, %iota3A_4 : vector<20x20xi32>
    %jit3A_10 = arith.constant 0.000000e+00 : f32
    %broadcast_in_dim3A_11 = vector.broadcast %jit3A_10 : f32 to vector<20x20xf32>
    %select_n3A_12 = arith.select %eq3A, %select_n3A, %broadcast_in_dim3A_11 : vector<20x20xi1>, vector<20x20xf32>
    %reduce_sum3A_13 = arith.constant dense<0.000000e+00> : vector<20xf32>
    %reduce_sum3A_14 = vector.multi_reduction <add>, %select_n3A_12, %reduce_sum3A_13 [1] : vector<20x20xf32> to vector<20xf32>
    %reduce_sum3A_15 = arith.constant dense<0.000000e+00> : vector<20xf32>
    %reduce_sum3A_16 = vector.multi_reduction <add>, %select_n3A, %reduce_sum3A_15 [1] : vector<20x20xf32> to vector<20xf32>
    %reduce_sum3A_17 = arith.constant dense<0.000000e+00> : vector<20xf32>
    %reduce_sum3A_18 = vector.multi_reduction <add>, %select_n3A, %reduce_sum3A_17 [0] : vector<20x20xf32> to vector<20xf32>
    %add3A = arith.addf %reduce_sum3A_16, %reduce_sum3A_18 : vector<20xf32>
    %sub3A = arith.subf %add3A, %reduce_sum3A_14 : vector<20xf32>
    %add3A_19 = arith.constant 1.000000e-15 : f32
    %add3A_20 = vector.broadcast %add3A_19 : f32 to vector<20xf32>
    %add3A_21 = arith.addf %sub3A, %add3A_20 : vector<20xf32>
    %div3A = arith.divf %reduce_sum3A_14, %add3A_21 : vector<20xf32>
    %swap3A = arith.constant 0 : index
    %swap3A_22 = vector.load %arg1[%swap3A] : memref<20xf32, #tpu.memory_space<vmem>>, vector<20xf32>
    tpu.vector_store %arg1[%swap3A], %div3A {strides = array<i32>} : memref<20xf32, #tpu.memory_space<vmem>>, vector<20xf32>,
    %reduce_sum3A_23 = vector.shape_cast %div3A : vector<20xf32> to vector<1x20xf32>
    %reduce_sum3A_24 = arith.constant dense<0.000000e+00> : vector<1xf32>
    %reduce_sum3A_25 = vector.multi_reduction <add>, %reduce_sum3A_23, %reduce_sum3A_24 [1] : vector<1x20xf32> to vector<1xf32>
    %reduce_sum3A_26 = vector.shape_cast %reduce_sum3A_25 : vector<1xf32> to vector<1x1xf32>
    %reduce_sum3A_27 = vector.extract %reduce_sum3A_26[0, 0] : f32 from vector<1x1xf32>
    %div3A_28 = arith.constant 1.900000e+01 : f32
    %div3A_29 = arith.divf %reduce_sum3A_27, %div3A_28 : f32
    %mul3A = arith.constant 1.000000e+04 : f32
    %mul3A_30 = arith.mulf %div3A_29, %mul3A : f32
    %round3A = math.roundeven %mul3A_30 : f32
    %div3A_31 = arith.constant 1.000000e+04 : f32
    %div3A_32 = arith.divf %round3A, %div3A_31 : f32
    %broadcast_in_dim3A_33 = vector.broadcast %div3A_32 : f32 to vector<1x1xf32>
    %swap3A_34 = arith.constant 0 : index
    %swap3A_35 = arith.constant 0 : index
    %swap3A_36 = vector.load %arg2[%swap3A_34, %swap3A_35] : memref<1x1xf32, #tpu.memory_space<vmem>>, vector<1x1xf32>
    tpu.vector_store %arg2[%swap3A_34, %swap3A_35], %broadcast_in_dim3A_33 {strides = array<i32>} : memref<1x1xf32, #tpu.memory_space<vmem>>, vector<1x1xf32>,
    return
  }
}

</mosaic_0001>

<sc_bundles>
// kernel: kernel.4.cloned.1.call-start
scs
__scs_entry_jumppad:
0x0: {  	(pc) =	sbr.rel $0x88, $3  }
0x1: {  	(tag) =	ssettag $0x0;
	lr =	simm.s32 $0x1  }
0x2: {  	[smem:$0x3F9E] =	sst lr;
	_ =	strace $0xD0000000  }
0x3: {  	_ = 	snop  }
0x4: {  	_ = 	snop  }
0x5: {  	_ = 	snop  }
0x6: {  	_ = 	snop  }
0x7: {  	_ = 	snop  }
__scs_overlays_trampoline_lowered:
0x8: {  	[smem:$0x3FAD] =	sst s0  }
0x9: {  	[smem:$0x3FAE] =	sst s1  }
0xa: {  	[smem:$0x3FAF] =	sst s2  }
0xb: {  	[smem:$0x3FB0] =	sst s3  }
0xc: {  	[smem:$0x3FB1] =	sst s4  }
0xd: {  	[smem:$0x3FB2] =	sst s5  }
0xe: {  	[smem:$0x3FB3] =	sst s6  }
0xf: {  	[smem:$0x3FB4] =	sst s7  }
0x10: {  	[smem:$0x3FB5] =	sst s8  }
0x11: {  	[smem:$0x3FB6] =	sst s9;
	s0 =	simm.s32 @!p0 $0x0  }
0x12: {  	s1 =	sld [smem:$0x3F9C];
	s0 =	simm.s32 @p0 $0x1  }
0x13: {  	[smem:$0x3FB7] =	sst s0;
	s0 =	simm.s32 @!p1 $0x0  }
0x14: {  	s2 =	sld [smem:$0x3F9B];
	s0 =	simm.s32 @p1 $0x1  }
0x15: {  	[smem:$0x3FB8] =	sst s0;
	s0 =	simm.s32 @!p2 $0x0  }
0x16: {  	s3 =	sld [smem:$0x3FDB];
	s0 =	simm.s32 @p2 $0x1  }
0x17: {  	s4 =	simm.s32 $0x1BF5;
	[smem:$0x3FBA] =	sst s0  }
0x18: {  	s0 =	sld [smem:$0x3F9D];
	_ =	swait.ge [sflag:s4], $0x0  }
0x19: {  	s7 =	sld [smem:$0x3F9E]  }
0x1a: {  	s8 =	sadd.s32 $0xFFFFE003, lr  }
0x1b: {  	s9 =	sadd.s32 $0xFFFFFEF7, lr;
	s5 =	simm.s32 $0xFFFFFFFF;
	p2 =	slt.u32 s8, $0xFFFFF086  }
0x1c: {  	p1 =	slt.u32 s9, $0xF7A;
	s5 =	simm.s32 @!p2 $0x0  }
0x1d: {  	s5 =	simm.s32 @p1 $0x1;
	p0 =	seq.s32 s7, s2  }
0x1e: {  	s7 =	smul.u32 @!p0 $0xF7A, s2;
	p2 =	seq.s32 @!p0 s5, $0x0  }
0x1f: {  	s9 =	smul.u32 $0xF7A, s1;
	s8 =	simm.s32 @!p0 $0x1BF5;
	p2 =	por !p2, p0  }
0x20: {  	[sflag:s8] =	ssyncset.s32 @!p0 $0xFFFFF086;
	s6 =	sadd.s32 @!p0 s3, s7;
	s7 =	simm.s32 @!p0 $0x108  }
0x21: {  	s3 =	sadd.s32 s3, s9;
	s6 =	sadd.s32 @!p0 $0x88, s6;
	s7 =	simm.s32 @p2 $0x1082  }
0x22: {  	[simem:s7], [sflag:s8] =	dma.local @!p0 [hbm:s6], $0xF7A  }
0x23: {  	s9 =	sor.u32 $0xD0000000, s2;
	s6 =	simm.s32 $0x108;
	_ =	swait.ge @!p0 [sflag:s8], $0x0  }
0x24: {  	s3 =	sadd.s32 $0x88, s3;
	s6 =	simm.s32 @!p1 $0x1082;
	[sflag:s4] =	ssyncset.s32 $0xFFFFF086  }
0x25: {  	[simem:s6], [sflag:s4] =	dma.local [hbm:s3], $0xF7A  }
0x26: {  	[smem:$0x3F9E] =	sst s1;
	(tag) =	ssettag s2;
	_ =	strace s9  }
0x27: {  	s1 =	sld [smem:$0x3FAE]  }
0x28: {  	s2 =	sld [smem:$0x3FAF]  }
0x29: {  	s4 =	sld [smem:$0x3FB1]  }
0x2a: {  	p0 =	seq.s32 s5, $0x0;
	s5 =	sld [smem:$0x3FB2]  }
0x2b: {  	s6 =	sld [smem:$0x3FB3]  }
0x2c: {  	s7 =	sld [smem:$0x3FB4]  }
0x2d: {  	s3 =	simm.s32 $0x108;
	s8 =	sld [smem:$0x3FB5]  }
0x2e: {  	s3 =	simm.s32 @!p0 $0x1082;
	s9 =	sld [smem:$0x3FB6]  }
0x2f: {  	lr =	sadd.s32 s0, s3;
	s0 =	sld [smem:$0x3FAD]  }
0x30: {  	s3 =	sld [smem:$0x3FB0]  }
0x31: {  	[smem:$0x3FB9] =	sst s10  }
0x32: {  	s10 =	sld [smem:$0x3FB7];
	_ =	sdelay $0x3  }
0x33: {  	p0 =	seq.s32 s10, $0x1;
	s10 =	sld [smem:$0x3FB9];
	_ =	sdelay $0x3  }
0x34: {  	[smem:$0x3FB9] =	sst s10  }
0x35: {  	s10 =	sld [smem:$0x3FB8];
	_ =	sdelay $0x3  }
0x36: {  	p1 =	seq.s32 s10, $0x1;
	s10 =	sld [smem:$0x3FB9];
	_ =	sdelay $0x3  }
0x37: {  	[smem:$0x3FB9] =	sst s10  }
0x38: {  	s10 =	sld [smem:$0x3FBA]  }
0x39: {  	_ = 	snop;
	(pc) =	sbr.ind lr, $3  }
0x3a: {  	_ = 	snop  }
0x3b: {  	_ = 	snop  }
0x3c: {  	p2 =	seq.s32 s10, $0x1;
	s10 =	sld [smem:$0x3FB9]  }
0x3d: {  	_ =	shalt  }
0x3e: {  	_ =	shalt  }
0x3f: {  	_ =	shalt  }
0x40: {  	_ =	shalt  }
0x41: {  	_ =	shalt  }
0x42: {  	_ =	shalt  }
0x43: {  	_ =	shalt  }
0x44: {  	_ =	shalt  }
0x45: {  	_ =	shalt  }
0x46: {  	_ =	shalt  }
0x47: {  	_ =	shalt  }
0x48: {  	_ =	shalt  }
0x49: {  	_ =	shalt  }
0x4a: {  	_ =	shalt  }
0x4b: {  	_ =	shalt  }
0x4c: {  	_ =	shalt  }
0x4d: {  	_ =	shalt  }
0x4e: {  	_ =	shalt  }
0x4f: {  	_ =	shalt  }
0x50: {  	_ =	shalt  }
0x51: {  	_ =	shalt  }
0x52: {  	_ =	shalt  }
0x53: {  	_ =	shalt  }
0x54: {  	_ =	shalt  }
0x55: {  	_ =	shalt  }
0x56: {  	_ =	shalt  }
0x57: {  	_ =	shalt  }
0x58: {  	_ =	shalt  }
0x59: {  	_ =	shalt  }
0x5a: {  	_ =	shalt  }
0x5b: {  	_ =	shalt  }
0x5c: {  	_ =	shalt  }
0x5d: {  	_ =	shalt  }
0x5e: {  	_ =	shalt  }
0x5f: {  	_ =	shalt  }
0x60: {  	_ =	shalt  }
0x61: {  	_ =	shalt  }
0x62: {  	_ =	shalt  }
0x63: {  	_ =	shalt  }
0x64: {  	_ =	shalt  }
0x65: {  	_ =	shalt  }
0x66: {  	_ =	shalt  }
0x67: {  	_ =	shalt  }
0x68: {  	_ =	shalt  }
0x69: {  	_ =	shalt  }
0x6a: {  	_ =	shalt  }
0x6b: {  	_ =	shalt  }
0x6c: {  	_ =	shalt  }
0x6d: {  	_ =	shalt  }
0x6e: {  	_ =	shalt  }
0x6f: {  	_ =	shalt  }
0x70: {  	_ =	shalt  }
0x71: {  	_ =	shalt  }
0x72: {  	_ =	shalt  }
0x73: {  	_ =	shalt  }
0x74: {  	_ =	shalt  }
0x75: {  	_ =	shalt  }
0x76: {  	_ =	shalt  }
0x77: {  	_ =	shalt  }
0x78: {  	_ =	shalt  }
0x79: {  	_ =	shalt  }
0x7a: {  	_ =	shalt  }
0x7b: {  	_ =	shalt  }
0x7c: {  	_ =	shalt  }
0x7d: {  	_ =	shalt  }
0x7e: {  	_ =	shalt  }
0x7f: {  	_ =	shalt  }
0x80: {  	_ =	shalt  }
0x81: {  	_ =	shalt  }
0x82: {  	_ =	shalt  }
0x83: {  	_ =	shalt  }
0x84: {  	_ =	shalt  }
0x85: {  	_ =	shalt  }
0x86: {  	_ =	shalt  }
0x87: {  	_ =	shalt  }
.Lfunc_end0:
.L_simem_size_0:
called_computation_lowered:
.L_overlay_start_0:
0x88: {  	s2 =	sld [smem:$0x3FD9]  }
0x89: {  	s3 =	sld [smem:$0x3FFE];
	_ =	sdelay $0x1  }
0x8a: {  	s1 =	srdreg.scid  }
0x8b: {  	s0 =	sand.u32 $0x1, s1  }
0x8c: {  	s17 =	sshll.u32 s0, $0xA;
	s2 =	sadd.s32 s3, s2  }
0x8d: {  	s2 =	sadd.s32 s2, s17  }
0x8e: {  	[smem:$0x3FC5] =	sst s2  }
0x8f: {  	_ = 	snop  }
0x90: {  	s2 =	sld [smem:$0x3FC9]  }
0x91: {  	s18 =	sld [smem:$0x3FC8];
	(tm) =	ssettm $0x1  }
0x92: {  	s4 =	sld [smem:$0x3FFB];
	_ =	sdelay $0x3  }
0x93: {  	_ =	strace s4  }
0x94: {  	s4 =	sld [smem:$0x3FFC];
	_ =	sdelay $0x3  }
0x95: {  	_ =	strace s4  }
0x96: {  	s4 =	sld [smem:$0x3FFD];
	_ =	sdelay $0x3  }
0x97: {  	_ =	strace s4  }
0x98: {  	_ =	strace $0x8FFFFFFF  }
0x99: {  	s19 =	sld [smem:$0x3FDB];
	_ =	sdelay $0x1  }
0x9a: {  	s5 =	simm.s32 $_scs_section_size  }
0x9b: {  	s6 =	simm.s32 $_size__tile_overlayer_lowered;
	s7 =	simm.s32 $_tile_overlayer_lowered  }
0x9c: {  	s22 =	simm.s32 $0x1BFF;
	s21 =	sshll.u32 s7, $0x1;
	s4 =	sadd.s32 s5, s19  }
0x9d: {  	s8 =	simm.s32 $0x0;
	s20 =	sshll.u32 s6, $0x1;
	s6 =	sadd.s32 s21, s4  }
0x9e: {  	[timem:s8], [sflag:s22] =	dma.local [hbm:s6], s20  }
0x9f: {  	_ =	swait.ge [sflag:s22], s20  }
0xa0: {  	s5 =	ssub.s32 $0x0, s20;
	[sflag:s22] =	ssyncset.done $0x0  }
0xa1: {  	[sflag:s22] =	ssyncadd.s32 s5;
	_ =	sdelay $0x1  }
0xa2: {  	s23 =	simm.s32 $0x1B8B  }
0xa3: {  	_ =	swait.ge [sflag:s23], $0x1  }
0xa4: {  	[sflag:s23] =	ssyncset.done $0x0  }
0xa5: {  	s25 =	simm.s32 $0x1B8E;
	s24 =	sld [smem:$0x3FFE];
	[sflag:s23] =	ssyncadd.s32 $0xFFFFFFFF  }
0xa6: {  	s26 =	simm.s32 $execute0_lowered;
	[smem:$0x3FD2] =	sst s25  }
0xa7: {  	s6 =	sshll.u32 s26, $0x1;
	_ =	strace $0x80000046;
	[dreg:$0x1] =	wrdreg $0xFFFFFFFF  }
0xa8: {  	s28 =	simm.s32 $_size_execute0_lowered;
	s4 =	sadd.s32 s4, s6;
	[dreg:$0x0] =	wrdreg $0x0  }
0xa9: {  	s6 =	sshll.u32 s28, $0x1;
	[dreg:$0x2] =	wrdreg s4  }
0xaa: {  	[dreg:$0x3] =	wrdreg s6  }
0xab: {  	[dreg:$0x4] =	wrdreg $0xC0  }
0xac: {  	_ =	task [dreg:s8], $0x5FFFF  }
0xad: {  	[dreg:$0x1] =	wrdreg $0xFFFFFFFF  }
0xae: {  	[dreg:$0x0] =	wrdreg $0x60  }
0xaf: {  	[dreg:$0x2] =	wrdreg s2  }
0xb0: {  	[dreg:$0x3] =	wrdreg s18  }
0xb1: {  	[dreg:$0x4] =	wrdreg s24  }
0xb2: {  	[dreg:$0x5] =	wrdreg $0x9  }
0xb3: {  	_ =	task.clear_ibuf [dreg:s8], $0x6FFFF;
	_ =	strace $0x90000046  }
0xb4: {  	s29 =	simm.s32 $0x9;
	_ =	strace $0x80000048  }
0xb5: {  	_ =	swait.ge [sflag:s29], $0x1  }
0xb6: {  	[sflag:s29] =	ssyncadd.s32 $0xFFFFFFFF  }
0xb7: {  	_ =	strace $0x90000048  }
0xb8: {  	_ =	sfence  }
0xb9: {  	s30 =	sld [smem:$0x0];
	_ =	sdelay $0x2  }
0xba: {  	s31 =	sshll.u32 s1, $0xD;
	s1 =	sshrl.u32 s1, $0x2  }
0xbb: {  	s3 =	sand.u32 $0x4000, s31;
	s1 =	sadd.s32 s1, s30  }
0xbc: {  	s0 =	sor.u32 s3, s0;
	s1 =	sshll.u32 s1, $0x11  }
0xbd: {  	s0 =	sor.u32 s1, s0  }
0xbe: {  	s0 =	sadd.s32 $0x8F2B, s0  }
0xbf: {  	[sflag:s0] =	ssyncadd.remote.s32 $0x1  }
0xc0: {  	_ =	sfence.sel $0xFFFF  }
0xc1: {  	[dreg:$0x0] =	wrdreg $0xFFFFFFFF;
	(pc) =	sbr.abs _section_cstart, $3  }
0xc2: {  	[dreg:$0x1] =	wrdreg $0xFFFFFFFF  }
0xc3: {  	_ =	task.clear_ibuf [dreg:s8], $0x2FFFF;
	_ =	strace $0x9FFFFFFF  }
0xc4: {  	(tm) =	ssettm $0x7FFFFFFF  }
0xc5: {  	_ =	shalt  }
tec
execute0_lowered:
.L_overlay_start_1:
0x0: {  	(tag) =	ssettag $0x1  }
0x1: {  	s0 =	rddreg [dreg:$0x0]  }
0x2: {  	s1 =	rddreg [dreg:$0x1]  }
0x3: {  	s3 =	rddreg [dreg:$0x2]  }
0x4: {  	s2 =	simm.s32 $0x0;
	s4 =	srdreg.scid;
	s7 =	stileid.u32  }
0x5: {  	s21 =	simm.s32 $0x8000;
	s22 =	simm.s32 $0x4000;
	s23 =	simm.s32 $0xC000  }
0x6: {  	s24 =	simm.s32 $0x1;
	s31 =	simm.s32 $0x3;
	[smem:$0x7FF] =	sst s2  }
0x7: {  	s4 =	sand.u32 $0x1, s4;
	s5 =	sshll.u32 s7, $0x7;
	s7 =	sshll.u32 s7, $0x1  }
0x8: {  	_ =	strace $0x80000047;
	s6 =	ssub.s32 $0x2, s4;
	s5 =	sand.u32 $0x600, s5  }
0x9: {  	s14 =	sor.u32 s4, s7;
	s8 =	sshrl.u32 s6, $0x1;
	s3 =	sadd.s32 s5, s3  }
0xa: {  	s17 =	sshll.u32 s14, $0xE;
	s18 =	sshll.u32 s14, $0x4;
	s20 =	ssub.s32 s6, s8  }
0xb: {  	s25 =	sadd.s32 s0, s17;
	s26 =	sadd.s32 s1, s17;
	s28 =	sor.u32 $0x800, s17  }
0xc: {  	s30 =	sor.u32 $0x1000, s17;
	s10 =	sor.u32 $0x1800, s17;
	s12 =	sor.u32 $0x2000, s17  }
0xd: {  	s15 =	sor.u32 $0x2800, s17;
	s16 =	sor.u32 $0x3000, s17;
	[dreg:$0x4] =	wrdreg s25  }
0xe: {  	s18 =	sand.u32 $0x70, s18;
	s19 =	sor.u32 $0x3800, s17;
	[dreg:$0x5] =	wrdreg s26  }
0xf: {  	s29 =	sadd.s32 s0, s28;
	s6 =	sadd.s32 s1, s28;
	s7 =	sadd.s32 s0, s30  }
0x10: {  	s8 =	sadd.s32 s1, s30;
	s9 =	sadd.s32 s0, s10;
	s10 =	sadd.s32 s1, s10  }
0x11: {  	s11 =	sadd.s32 s0, s12;
	s12 =	sadd.s32 s1, s12;
	s13 =	sadd.s32 s0, s15  }
0x12: {  	s14 =	sadd.s32 s1, s15;
	s15 =	sadd.s32 s0, s16;
	s16 =	sadd.s32 s1, s16  }
0x13: {  	s3 =	sadd.s32 s18, s3;
	s17 =	sadd.s32 s0, s19;
	s18 =	sadd.s32 s1, s19  }
0x14: {  	v0 =	vlaneseq.u32;
	s20 =	smax.u32 s20, $0x1;
	s25 =	simm.s32 $0x10000;
	s26 =	simm.s32 $0x2  }
0x15: {  	v1 =	vimm.f32 $0.0e+00;
	v12 =	vimm.f32 $1.000000000e+00;
	v48 =	vmul.u32 $0x10, v0;
	s0 =	simm.s32 $0x0;
	[dreg:$0x6] =	wrdreg s29;
	s19 =	sadd.s32 $0x600, s3  }
.LBB2_1:
0x16: {  	s1 =	simm.s32 $0x10040  }
0x17: {  	[tilespmem:s1+$0xFFFFFFC0] =	vst v1  }
0x18: {  	[tilespmem:s1+$0x30] =	vst v1  }
0x19: {  	[tilespmem:s1+$0x20] =	vst v1  }
0x1a: {  	[tilespmem:s1+$0x10] =	vst v1  }
0x1b: {  	[tilespmem:s1+$0x0] =	vst v1  }
0x1c: {  	[tilespmem:s1+$0xFFFFFFF0] =	vst v1  }
0x1d: {  	s3 =	simm.s32 $0x0;
	[tilespmem:s1+$0xFFFFFFE0] =	vst v1  }
.LBB2_2:
0x1e: {  	s3 =	sadd.s32 $0x8, s3;
	[tilespmem:s1+$0xFFFFFFD0] =	vst v1;
	s1 =	sadd.s32 $0x80, s1  }
0x1f: {  	[tilespmem:s1+$0xFFFFFFC0] =	vst v1;
	p0 =	slt.u32 s3, $0x188  }
0x20: {  	[tilespmem:s1+$0x30] =	vst v1  }
.Ltmp0:
0x21: {  	[tilespmem:s1+$0x20] =	vst v1;
	(pc) =	sbr.rel @p0 .LBB2_2-.Ltmp0, $4  }
0x22: {  	[tilespmem:s1+$0x10] =	vst v1  }
0x23: {  	[tilespmem:s1+$0x0] =	vst v1  }
0x24: {  	[tilespmem:s1+$0xFFFFFFF0] =	vst v1  }
0x25: {  	[tilespmem:s1+$0xFFFFFFE0] =	vst v1  }
0x26: {  	[tilespmem:s1+$0xFFFFFFD0] =	vst v1  }
0x27: {  	s28 =	simm.s32 $0x0;
	s3 =	rddreg [dreg:$0x4]  }
0x28: {  	[tilespmem:s28], [sflag:$0x1] =	stream.linear.gather [hbm4b:s3+s28], $0x4000, $0x38;
	[tilespmem:$0x11B00] =	vst v63  }
0x29: {  	s29 =	rddreg [dreg:$0x5]  }
0x2a: {  	[tilespmem:s21], [sflag:$0x1] =	stream.linear.gather [hbm4b:s29+s28], $0x4000, $0x38;
	[tilespmem:$0x11B00] =	vst v63  }
0x2b: {  	s30 =	rddreg [dreg:$0x6]  }
0x2c: {  	[tilespmem:s22], [sflag:$0x2] =	stream.linear.gather [hbm4b:s30+s28], $0x4000, $0x38;
	[tilespmem:$0x11B00] =	vst v63  }
0x2d: {  	_ = 	snop  }
0x2e: {  	[tilespmem:s23], [sflag:$0x2] =	stream.linear.gather [hbm4b:s6+s28], $0x4000, $0x38;
	[tilespmem:$0x11B00] =	vst v63  }
0x2f: {  	_ =	swait.ge [sflag:s24], $0x4000  }
0x30: {  	s4 =	simm.s32 $0x10;
	v1 =	vor.u32 s28, v0;
	[sflag:s24] =	ssyncset.done $0x0  }
0x31: {  	v2 =	vor.u32 s4, v0;
	[sflag:s24] =	ssyncadd.s32 $0xFFFFC000  }
0x32: {  	_ =	swait.ge [sflag:s24], $0x4000  }
0x33: {  	[sflag:s24] =	ssyncset.done $0x0  }
0x34: {  	s5 =	simm.s32 $0x20;
	[sflag:s24] =	ssyncadd.s32 $0xFFFFC000  }
0x35: {  	v4 =	vor.u32 s5, v0;
	v3 =	vld.idx.msk [tilespmem:v1+s2+$0x0], $0xffff  }
0x36: {  	v5 =	vld.idx.msk [tilespmem:v2+s2+$0x0], $0xffff  }
0x37: {  	s28 =	simm.s32 $0x30;
	v1 =	vld.idx.msk [tilespmem:v1+s21+$0x0], $0xffff  }
0x38: {  	v6 =	vor.u32 s28, v0;
	v7 =	vld.idx.msk [tilespmem:v2+s21+$0x0], $0xffff;
	_ =	sdelay $0x1  }
0x39: {  	s29 =	simm.s32 $0x40;
	v9 =	vld.idx.msk [tilespmem:v4+s2+$0x0], $0xffff;
	v8 =	vmul.u32 $0x14, v3  }
0x3a: {  	v2 =	vor.u32 s29, v0;
	v10 =	vmul.u32 $0x14, v5  }
0x3b: {  	s30 =	simm.s32 $0x50;
	v3 =	vld.idx.msk [tilespmem:v4+s21+$0x0], $0xffff;
	v1 =	vadd.s32 v1, v8  }
0x3c: {  	v5 =	vld.idx.msk [tilespmem:v6+s2+$0x0], $0xffff;
	v4 =	vadd.s32 v7, v10;
	v7 =	vor.u32 s30, v0;
	v1 =	vshll.u32 v1, $0x4  }
0x3d: {  	v1 =	vor.u32 v0, v1  }
0x3e: {  	v6 =	vld.idx.msk [tilespmem:v6+s21+$0x0], $0xffff;
	v10 =	vmul.u32 $0x14, v9;
	v4 =	vshll.u32 v4, $0x4;
	v9 =	vmov v7  }
0x3f: {  	s1 =	simm.s32 $0x60;
	v8 =	vld.idx.msk [tilespmem:v2+s2+$0x0], $0xffff;
	v4 =	vor.u32 v0, v4  }
.LBB2_4:
0x40: {  	v11 =	vmov v3;
	v3 =	vld.idx.msk [tilespmem:v2+s21+$0x0], $0xffff;
	v2 =	vor.u32 s1, v0;
	p0 =	slt.u32 s1, $0x3FE0  }
.Ltmp1:
0x41: {  	s3 =	sadd.s32 $0x10, s1;
	s1 =	sadd.s32 $0x20, s1;
	v10 =	vadd.s32 v11, v10;
	v11 =	vmul.u32 $0x14, v5;
	v5 =	vld.idx.msk [tilespmem:v7+s2+$0x0], $0xffff;
	(pc) =	sbr.rel @p0 .LBB2_4-.Ltmp1, $4  }
0x42: {  	v7 =	vor.u32 s3, v0;
	v10 =	vshll.u32 v10, $0x4;
	[tilespmem:v1+s25+$0x0] =	vst.idx.add.f32.msk $0xffff, v12  }
0x43: {  	v1 =	vor.u32 v0, v10;
	v10 =	vadd.s32 v6, v11;
	v6 =	vld.idx.msk [tilespmem:v9+s21+$0x0], $0xffff;
	v9 =	vmov v7  }
0x44: {  	v11 =	vshll.u32 v10, $0x4;
	[tilespmem:v4+s25+$0x0] =	vst.idx.add.f32.msk $0xffff, v12  }
0x45: {  	v10 =	vmul.u32 $0x14, v8;
	v8 =	vld.idx.msk [tilespmem:v2+s2+$0x0], $0xffff;
	v4 =	vor.u32 v0, v11  }
0x46: {  	_ =	sdelay $0x3  }
0x47: {  	v7 =	vld.idx.msk [tilespmem:v7+s2+$0x0], $0xffff  }
0x48: {  	v2 =	vld.idx.msk [tilespmem:v2+s21+$0x0], $0xffff  }
0x49: {  	v9 =	vld.idx.msk [tilespmem:v9+s21+$0x0], $0xffff  }
0x4a: {  	v5 =	vmul.u32 $0x14, v5  }
0x4b: {  	v3 =	vadd.s32 v3, v10;
	v8 =	vmul.u32 $0x14, v8  }
0x4c: {  	v3 =	vshll.u32 v3, $0x4;
	v5 =	vadd.s32 v6, v5;
	v6 =	vmul.u32 $0x14, v7  }
0x4d: {  	v3 =	vor.u32 v0, v3;
	v5 =	vshll.u32 v5, $0x4;
	v2 =	vadd.s32 v2, v8  }
0x4e: {  	v5 =	vor.u32 v0, v5;
	v2 =	vshll.u32 v2, $0x4;
	v6 =	vadd.s32 v9, v6  }
0x4f: {  	v2 =	vor.u32 v0, v2;
	v6 =	vshll.u32 v6, $0x4  }
0x50: {  	[tilespmem:v1+s25+$0x0] =	vst.idx.add.f32.msk $0xffff, v12;
	v1 =	vor.u32 v0, v6  }
0x51: {  	[tilespmem:v4+s25+$0x0] =	vst.idx.add.f32.msk $0xffff, v12  }
0x52: {  	[tilespmem:v3+s25+$0x0] =	vst.idx.add.f32.msk $0xffff, v12  }
0x53: {  	[tilespmem:v5+s25+$0x0] =	vst.idx.add.f32.msk $0xffff, v12  }
0x54: {  	[tilespmem:v2+s25+$0x0] =	vst.idx.add.f32.msk $0xffff, v12  }
0x55: {  	s1 =	simm.s32 $0x0;
	[tilespmem:v1+s25+$0x0] =	vst.idx.add.f32.msk $0xffff, v12  }
0x56: {  	[tilespmem:s1], [sflag:$0x1] =	stream.linear.gather [hbm4b:s7+s1], $0x4000, $0x38;
	[tilespmem:$0x11B00] =	vst v63  }
0x57: {  	_ = 	snop  }
0x58: {  	[tilespmem:s21], [sflag:$0x1] =	stream.linear.gather [hbm4b:s8+s1], $0x4000, $0x38;
	[tilespmem:$0x11B00] =	vst v63  }
0x59: {  	_ =	swait.ge [sflag:s26], $0x4000  }
0x5a: {  	s4 =	simm.s32 $0x10;
	v1 =	vor.u32 s1, v0;
	[sflag:s26] =	ssyncset.done $0x0  }
0x5b: {  	v2 =	vor.u32 s4, v0;
	[sflag:s26] =	ssyncadd.s32 $0xFFFFC000  }
0x5c: {  	_ =	swait.ge [sflag:s26], $0x4000  }
0x5d: {  	[sflag:s26] =	ssyncset.done $0x0  }
0x5e: {  	s5 =	simm.s32 $0x20;
	[sflag:s26] =	ssyncadd.s32 $0xFFFFC000  }
0x5f: {  	v4 =	vor.u32 s5, v0;
	v3 =	vld.idx.msk [tilespmem:v1+s22+$0x0], $0xffff  }
0x60: {  	v5 =	vld.idx.msk [tilespmem:v2+s22+$0x0], $0xffff  }
0x61: {  	s28 =	simm.s32 $0x30;
	v1 =	vld.idx.msk [tilespmem:v1+s23+$0x0], $0xffff  }
0x62: {  	v6 =	vor.u32 s28, v0;
	v7 =	vld.idx.msk [tilespmem:v2+s23+$0x0], $0xffff;
	_ =	sdelay $0x1  }
0x63: {  	s29 =	simm.s32 $0x40;
	v9 =	vld.idx.msk [tilespmem:v4+s22+$0x0], $0xffff;
	v8 =	vmul.u32 $0x14, v3  }
0x64: {  	v2 =	vor.u32 s29, v0;
	v10 =	vmul.u32 $0x14, v5  }
0x65: {  	s30 =	simm.s32 $0x50;
	v3 =	vld.idx.msk [tilespmem:v4+s23+$0x0], $0xffff;
	v1 =	vadd.s32 v1, v8  }
0x66: {  	v5 =	vld.idx.msk [tilespmem:v6+s22+$0x0], $0xffff;
	v4 =	vadd.s32 v7, v10;
	v7 =	vor.u32 s30, v0;
	v1 =	vshll.u32 v1, $0x4  }
0x67: {  	v1 =	vor.u32 v0, v1  }
0x68: {  	v6 =	vld.idx.msk [tilespmem:v6+s23+$0x0], $0xffff;
	v10 =	vmul.u32 $0x14, v9;
	v4 =	vshll.u32 v4, $0x4;
	v9 =	vmov v7  }
0x69: {  	s1 =	simm.s32 $0x60;
	v8 =	vld.idx.msk [tilespmem:v2+s22+$0x0], $0xffff;
	v4 =	vor.u32 v0, v4  }
.LBB2_6:
0x6a: {  	v11 =	vmov v3;
	v3 =	vld.idx.msk [tilespmem:v2+s23+$0x0], $0xffff;
	v2 =	vor.u32 s1, v0;
	p0 =	slt.u32 s1, $0x3FE0  }
.Ltmp2:
0x6b: {  	s3 =	sadd.s32 $0x10, s1;
	s1 =	sadd.s32 $0x20, s1;
	v10 =	vadd.s32 v11, v10;
	v11 =	vmul.u32 $0x14, v5;
	v5 =	vld.idx.msk [tilespmem:v7+s22+$0x0], $0xffff;
	(pc) =	sbr.rel @p0 .LBB2_6-.Ltmp2, $4  }
0x6c: {  	v7 =	vor.u32 s3, v0;
	v10 =	vshll.u32 v10, $0x4;
	[tilespmem:v1+s25+$0x0] =	vst.idx.add.f32.msk $0xffff, v12  }
0x6d: {  	v1 =	vor.u32 v0, v10;
	v10 =	vadd.s32 v6, v11;
	v6 =	vld.idx.msk [tilespmem:v9+s23+$0x0], $0xffff;
	v9 =	vmov v7  }
0x6e: {  	v11 =	vshll.u32 v10, $0x4;
	[tilespmem:v4+s25+$0x0] =	vst.idx.add.f32.msk $0xffff, v12  }
0x6f: {  	v10 =	vmul.u32 $0x14, v8;
	v8 =	vld.idx.msk [tilespmem:v2+s22+$0x0], $0xffff;
	v4 =	vor.u32 v0, v11  }
0x70: {  	_ =	sdelay $0x3  }
0x71: {  	v7 =	vld.idx.msk [tilespmem:v7+s22+$0x0], $0xffff  }
0x72: {  	v2 =	vld.idx.msk [tilespmem:v2+s23+$0x0], $0xffff  }
0x73: {  	v9 =	vld.idx.msk [tilespmem:v9+s23+$0x0], $0xffff  }
0x74: {  	v5 =	vmul.u32 $0x14, v5  }
0x75: {  	v3 =	vadd.s32 v3, v10;
	v8 =	vmul.u32 $0x14, v8  }
0x76: {  	v3 =	vshll.u32 v3, $0x4;
	v5 =	vadd.s32 v6, v5;
	v6 =	vmul.u32 $0x14, v7  }
0x77: {  	v3 =	vor.u32 v0, v3;
	v5 =	vshll.u32 v5, $0x4;
	v2 =	vadd.s32 v2, v8  }
0x78: {  	v5 =	vor.u32 v0, v5;
	v2 =	vshll.u32 v2, $0x4;
	v6 =	vadd.s32 v9, v6  }
0x79: {  	v2 =	vor.u32 v0, v2;
	v6 =	vshll.u32 v6, $0x4  }
0x7a: {  	[tilespmem:v1+s25+$0x0] =	vst.idx.add.f32.msk $0xffff, v12;
	v1 =	vor.u32 v0, v6  }
0x7b: {  	[tilespmem:v4+s25+$0x0] =	vst.idx.add.f32.msk $0xffff, v12  }
0x7c: {  	[tilespmem:v3+s25+$0x0] =	vst.idx.add.f32.msk $0xffff, v12  }
0x7d: {  	[tilespmem:v5+s25+$0x0] =	vst.idx.add.f32.msk $0xffff, v12  }
0x7e: {  	[tilespmem:v2+s25+$0x0] =	vst.idx.add.f32.msk $0xffff, v12  }
0x7f: {  	s1 =	simm.s32 $0x0;
	[tilespmem:v1+s25+$0x0] =	vst.idx.add.f32.msk $0xffff, v12  }
0x80: {  	[tilespmem:s22], [sflag:$0x2] =	stream.linear.gather [hbm4b:s9+s1], $0x4000, $0x38;
	[tilespmem:$0x11B00] =	vst v63  }
0x81: {  	_ = 	snop  }
0x82: {  	[tilespmem:s23], [sflag:$0x2] =	stream.linear.gather [hbm4b:s10+s1], $0x4000, $0x38;
	[tilespmem:$0x11B00] =	vst v63  }
0x83: {  	_ =	swait.ge [sflag:s24], $0x4000  }
0x84: {  	s4 =	simm.s32 $0x10;
	v1 =	vor.u32 s1, v0;
	[sflag:s24] =	ssyncset.done $0x0  }
0x85: {  	v2 =	vor.u32 s4, v0;
	[sflag:s24] =	ssyncadd.s32 $0xFFFFC000  }
0x86: {  	_ =	swait.ge [sflag:s24], $0x4000  }
0x87: {  	[sflag:s24] =	ssyncset.done $0x0  }
0x88: {  	s5 =	simm.s32 $0x20;
	[sflag:s24] =	ssyncadd.s32 $0xFFFFC000  }
0x89: {  	v4 =	vor.u32 s5, v0;
	v3 =	vld.idx.msk [tilespmem:v1+s2+$0x0], $0xffff  }
0x8a: {  	v5 =	vld.idx.msk [tilespmem:v2+s2+$0x0], $0xffff  }
0x8b: {  	s28 =	simm.s32 $0x30;
	v1 =	vld.idx.msk [tilespmem:v1+s21+$0x0], $0xffff  }
0x8c: {  	v6 =	vor.u32 s28, v0;
	v7 =	vld.idx.msk [tilespmem:v2+s21+$0x0], $0xffff;
	_ =	sdelay $0x1  }
0x8d: {  	s29 =	simm.s32 $0x40;
	v9 =	vld.idx.msk [tilespmem:v4+s2+$0x0], $0xffff;
	v8 =	vmul.u32 $0x14, v3  }
0x8e: {  	v2 =	vor.u32 s29, v0;
	v10 =	vmul.u32 $0x14, v5  }
0x8f: {  	s30 =	simm.s32 $0x50;
	v3 =	vld.idx.msk [tilespmem:v4+s21+$0x0], $0xffff;
	v1 =	vadd.s32 v1, v8  }
0x90: {  	v5 =	vld.idx.msk [tilespmem:v6+s2+$0x0], $0xffff;
	v4 =	vadd.s32 v7, v10;
	v7 =	vor.u32 s30, v0;
	v1 =	vshll.u32 v1, $0x4  }
0x91: {  	v1 =	vor.u32 v0, v1  }
0x92: {  	v6 =	vld.idx.msk [tilespmem:v6+s21+$0x0], $0xffff;
	v10 =	vmul.u32 $0x14, v9;
	v4 =	vshll.u32 v4, $0x4;
	v9 =	vmov v7  }
0x93: {  	s1 =	simm.s32 $0x60;
	v8 =	vld.idx.msk [tilespmem:v2+s2+$0x0], $0xffff;
	v4 =	vor.u32 v0, v4  }
.LBB2_8:
0x94: {  	v11 =	vmov v3;
	v3 =	vld.idx.msk [tilespmem:v2+s21+$0x0], $0xffff;
	v2 =	vor.u32 s1, v0;
	p0 =	slt.u32 s1, $0x3FE0  }
.Ltmp3:
0x95: {  	s3 =	sadd.s32 $0x10, s1;
	s1 =	sadd.s32 $0x20, s1;
	v10 =	vadd.s32 v11, v10;
	v11 =	vmul.u32 $0x14, v5;
	v5 =	vld.idx.msk [tilespmem:v7+s2+$0x0], $0xffff;
	(pc) =	sbr.rel @p0 .LBB2_8-.Ltmp3, $4  }
0x96: {  	v7 =	vor.u32 s3, v0;
	v10 =	vshll.u32 v10, $0x4;
	[tilespmem:v1+s25+$0x0] =	vst.idx.add.f32.msk $0xffff, v12  }
0x97: {  	v1 =	vor.u32 v0, v10;
	v10 =	vadd.s32 v6, v11;
	v6 =	vld.idx.msk [tilespmem:v9+s21+$0x0], $0xffff;
	v9 =	vmov v7  }
0x98: {  	v11 =	vshll.u32 v10, $0x4;
	[tilespmem:v4+s25+$0x0] =	vst.idx.add.f32.msk $0xffff, v12  }
0x99: {  	v10 =	vmul.u32 $0x14, v8;
	v8 =	vld.idx.msk [tilespmem:v2+s2+$0x0], $0xffff;
	v4 =	vor.u32 v0, v11  }
0x9a: {  	_ =	sdelay $0x3  }
0x9b: {  	v7 =	vld.idx.msk [tilespmem:v7+s2+$0x0], $0xffff  }
0x9c: {  	v2 =	vld.idx.msk [tilespmem:v2+s21+$0x0], $0xffff  }
0x9d: {  	v9 =	vld.idx.msk [tilespmem:v9+s21+$0x0], $0xffff  }
0x9e: {  	v5 =	vmul.u32 $0x14, v5  }
0x9f: {  	v3 =	vadd.s32 v3, v10;
	v8 =	vmul.u32 $0x14, v8  }
0xa0: {  	v3 =	vshll.u32 v3, $0x4;
	v5 =	vadd.s32 v6, v5;
	v6 =	vmul.u32 $0x14, v7  }
0xa1: {  	v3 =	vor.u32 v0, v3;
	v5 =	vshll.u32 v5, $0x4;
	v2 =	vadd.s32 v2, v8  }
0xa2: {  	v5 =	vor.u32 v0, v5;
	v2 =	vshll.u32 v2, $0x4;
	v6 =	vadd.s32 v9, v6  }
0xa3: {  	v2 =	vor.u32 v0, v2;
	v6 =	vshll.u32 v6, $0x4  }
0xa4: {  	[tilespmem:v1+s25+$0x0] =	vst.idx.add.f32.msk $0xffff, v12;
	v1 =	vor.u32 v0, v6  }
0xa5: {  	[tilespmem:v4+s25+$0x0] =	vst.idx.add.f32.msk $0xffff, v12  }
0xa6: {  	[tilespmem:v3+s25+$0x0] =	vst.idx.add.f32.msk $0xffff, v12  }
0xa7: {  	[tilespmem:v5+s25+$0x0] =	vst.idx.add.f32.msk $0xffff, v12  }
0xa8: {  	[tilespmem:v2+s25+$0x0] =	vst.idx.add.f32.msk $0xffff, v12  }
0xa9: {  	s1 =	simm.s32 $0x0;
	[tilespmem:v1+s25+$0x0] =	vst.idx.add.f32.msk $0xffff, v12  }
0xaa: {  	[tilespmem:s1], [sflag:$0x1] =	stream.linear.gather [hbm4b:s11+s1], $0x4000, $0x38;
	[tilespmem:$0x11B00] =	vst v63  }
0xab: {  	_ = 	snop  }
0xac: {  	[tilespmem:s21], [sflag:$0x1] =	stream.linear.gather [hbm4b:s12+s1], $0x4000, $0x38;
	[tilespmem:$0x11B00] =	vst v63  }
0xad: {  	_ =	swait.ge [sflag:s26], $0x4000  }
0xae: {  	s4 =	simm.s32 $0x10;
	v1 =	vor.u32 s1, v0;
	[sflag:s26] =	ssyncset.done $0x0  }
0xaf: {  	v2 =	vor.u32 s4, v0;
	[sflag:s26] =	ssyncadd.s32 $0xFFFFC000  }
0xb0: {  	_ =	swait.ge [sflag:s26], $0x4000  }
0xb1: {  	[sflag:s26] =	ssyncset.done $0x0  }
0xb2: {  	s5 =	simm.s32 $0x20;
	[sflag:s26] =	ssyncadd.s32 $0xFFFFC000  }
0xb3: {  	v4 =	vor.u32 s5, v0;
	v3 =	vld.idx.msk [tilespmem:v1+s22+$0x0], $0xffff  }
0xb4: {  	v5 =	vld.idx.msk [tilespmem:v2+s22+$0x0], $0xffff  }
0xb5: {  	s28 =	simm.s32 $0x30;
	v1 =	vld.idx.msk [tilespmem:v1+s23+$0x0], $0xffff  }
0xb6: {  	v6 =	vor.u32 s28, v0;
	v7 =	vld.idx.msk [tilespmem:v2+s23+$0x0], $0xffff;
	_ =	sdelay $0x1  }
0xb7: {  	s29 =	simm.s32 $0x40;
	v9 =	vld.idx.msk [tilespmem:v4+s22+$0x0], $0xffff;
	v8 =	vmul.u32 $0x14, v3  }
0xb8: {  	v2 =	vor.u32 s29, v0;
	v10 =	vmul.u32 $0x14, v5  }
0xb9: {  	s30 =	simm.s32 $0x50;
	v3 =	vld.idx.msk [tilespmem:v4+s23+$0x0], $0xffff;
	v1 =	vadd.s32 v1, v8  }
0xba: {  	v5 =	vld.idx.msk [tilespmem:v6+s22+$0x0], $0xffff;
	v4 =	vadd.s32 v7, v10;
	v7 =	vor.u32 s30, v0;
	v1 =	vshll.u32 v1, $0x4  }
0xbb: {  	v1 =	vor.u32 v0, v1  }
0xbc: {  	v6 =	vld.idx.msk [tilespmem:v6+s23+$0x0], $0xffff;
	v10 =	vmul.u32 $0x14, v9;
	v4 =	vshll.u32 v4, $0x4;
	v9 =	vmov v7  }
0xbd: {  	s1 =	simm.s32 $0x60;
	v8 =	vld.idx.msk [tilespmem:v2+s22+$0x0], $0xffff;
	v4 =	vor.u32 v0, v4  }
.LBB2_10:
0xbe: {  	v11 =	vmov v3;
	v3 =	vld.idx.msk [tilespmem:v2+s23+$0x0], $0xffff;
	v2 =	vor.u32 s1, v0;
	p0 =	slt.u32 s1, $0x3FE0  }
.Ltmp4:
0xbf: {  	s3 =	sadd.s32 $0x10, s1;
	s1 =	sadd.s32 $0x20, s1;
	v10 =	vadd.s32 v11, v10;
	v11 =	vmul.u32 $0x14, v5;
	v5 =	vld.idx.msk [tilespmem:v7+s22+$0x0], $0xffff;
	(pc) =	sbr.rel @p0 .LBB2_10-.Ltmp4, $4  }
0xc0: {  	v7 =	vor.u32 s3, v0;
	v10 =	vshll.u32 v10, $0x4;
	[tilespmem:v1+s25+$0x0] =	vst.idx.add.f32.msk $0xffff, v12  }
0xc1: {  	v1 =	vor.u32 v0, v10;
	v10 =	vadd.s32 v6, v11;
	v6 =	vld.idx.msk [tilespmem:v9+s23+$0x0], $0xffff;
	v9 =	vmov v7  }
0xc2: {  	v11 =	vshll.u32 v10, $0x4;
	[tilespmem:v4+s25+$0x0] =	vst.idx.add.f32.msk $0xffff, v12  }
0xc3: {  	v10 =	vmul.u32 $0x14, v8;
	v8 =	vld.idx.msk [tilespmem:v2+s22+$0x0], $0xffff;
	v4 =	vor.u32 v0, v11  }
0xc4: {  	_ =	sdelay $0x3  }
0xc5: {  	v7 =	vld.idx.msk [tilespmem:v7+s22+$0x0], $0xffff  }
0xc6: {  	v2 =	vld.idx.msk [tilespmem:v2+s23+$0x0], $0xffff  }
0xc7: {  	v9 =	vld.idx.msk [tilespmem:v9+s23+$0x0], $0xffff  }
0xc8: {  	v5 =	vmul.u32 $0x14, v5  }
0xc9: {  	v3 =	vadd.s32 v3, v10;
	v8 =	vmul.u32 $0x14, v8  }
0xca: {  	v3 =	vshll.u32 v3, $0x4;
	v5 =	vadd.s32 v6, v5;
	v6 =	vmul.u32 $0x14, v7  }
0xcb: {  	v3 =	vor.u32 v0, v3;
	v5 =	vshll.u32 v5, $0x4;
	v2 =	vadd.s32 v2, v8  }
0xcc: {  	v5 =	vor.u32 v0, v5;
	v2 =	vshll.u32 v2, $0x4;
	v6 =	vadd.s32 v9, v6  }
0xcd: {  	v2 =	vor.u32 v0, v2;
	v6 =	vshll.u32 v6, $0x4  }
0xce: {  	[tilespmem:v1+s25+$0x0] =	vst.idx.add.f32.msk $0xffff, v12;
	v1 =	vor.u32 v0, v6  }
0xcf: {  	[tilespmem:v4+s25+$0x0] =	vst.idx.add.f32.msk $0xffff, v12  }
0xd0: {  	[tilespmem:v3+s25+$0x0] =	vst.idx.add.f32.msk $0xffff, v12  }
0xd1: {  	[tilespmem:v5+s25+$0x0] =	vst.idx.add.f32.msk $0xffff, v12  }
0xd2: {  	[tilespmem:v2+s25+$0x0] =	vst.idx.add.f32.msk $0xffff, v12  }
0xd3: {  	s1 =	simm.s32 $0x0;
	[tilespmem:v1+s25+$0x0] =	vst.idx.add.f32.msk $0xffff, v12  }
0xd4: {  	[tilespmem:s22], [sflag:$0x2] =	stream.linear.gather [hbm4b:s13+s1], $0x4000, $0x38;
	[tilespmem:$0x11B00] =	vst v63  }
0xd5: {  	_ = 	snop  }
0xd6: {  	[tilespmem:s23], [sflag:$0x2] =	stream.linear.gather [hbm4b:s14+s1], $0x4000, $0x38;
	[tilespmem:$0x11B00] =	vst v63  }
0xd7: {  	_ =	swait.ge [sflag:s24], $0x4000  }
0xd8: {  	s4 =	simm.s32 $0x10;
	v1 =	vor.u32 s1, v0;
	[sflag:s24] =	ssyncset.done $0x0  }
0xd9: {  	v2 =	vor.u32 s4, v0;
	[sflag:s24] =	ssyncadd.s32 $0xFFFFC000  }
0xda: {  	_ =	swait.ge [sflag:s24], $0x4000  }
0xdb: {  	[sflag:s24] =	ssyncset.done $0x0  }
0xdc: {  	s5 =	simm.s32 $0x20;
	[sflag:s24] =	ssyncadd.s32 $0xFFFFC000  }
0xdd: {  	v4 =	vor.u32 s5, v0;
	v3 =	vld.idx.msk [tilespmem:v1+s2+$0x0], $0xffff  }
0xde: {  	v5 =	vld.idx.msk [tilespmem:v2+s2+$0x0], $0xffff  }
0xdf: {  	s28 =	simm.s32 $0x30;
	v1 =	vld.idx.msk [tilespmem:v1+s21+$0x0], $0xffff  }
0xe0: {  	v6 =	vor.u32 s28, v0;
	v7 =	vld.idx.msk [tilespmem:v2+s21+$0x0], $0xffff;
	_ =	sdelay $0x1  }
0xe1: {  	s29 =	simm.s32 $0x40;
	v9 =	vld.idx.msk [tilespmem:v4+s2+$0x0], $0xffff;
	v8 =	vmul.u32 $0x14, v3  }
0xe2: {  	v2 =	vor.u32 s29, v0;
	v10 =	vmul.u32 $0x14, v5  }
0xe3: {  	s30 =	simm.s32 $0x50;
	v3 =	vld.idx.msk [tilespmem:v4+s21+$0x0], $0xffff;
	v1 =	vadd.s32 v1, v8  }
0xe4: {  	v5 =	vld.idx.msk [tilespmem:v6+s2+$0x0], $0xffff;
	v4 =	vadd.s32 v7, v10;
	v7 =	vor.u32 s30, v0;
	v1 =	vshll.u32 v1, $0x4  }
0xe5: {  	v1 =	vor.u32 v0, v1  }
0xe6: {  	v6 =	vld.idx.msk [tilespmem:v6+s21+$0x0], $0xffff;
	v10 =	vmul.u32 $0x14, v9;
	v4 =	vshll.u32 v4, $0x4;
	v9 =	vmov v7  }
0xe7: {  	s1 =	simm.s32 $0x60;
	v8 =	vld.idx.msk [tilespmem:v2+s2+$0x0], $0xffff;
	v4 =	vor.u32 v0, v4  }
.LBB2_12:
0xe8: {  	v11 =	vmov v3;
	v3 =	vld.idx.msk [tilespmem:v2+s21+$0x0], $0xffff;
	v2 =	vor.u32 s1, v0;
	p0 =	slt.u32 s1, $0x3FE0  }
.Ltmp5:
0xe9: {  	s3 =	sadd.s32 $0x10, s1;
	s1 =	sadd.s32 $0x20, s1;
	v10 =	vadd.s32 v11, v10;
	v11 =	vmul.u32 $0x14, v5;
	v5 =	vld.idx.msk [tilespmem:v7+s2+$0x0], $0xffff;
	(pc) =	sbr.rel @p0 .LBB2_12-.Ltmp5, $4  }
0xea: {  	v7 =	vor.u32 s3, v0;
	v10 =	vshll.u32 v10, $0x4;
	[tilespmem:v1+s25+$0x0] =	vst.idx.add.f32.msk $0xffff, v12  }
0xeb: {  	v1 =	vor.u32 v0, v10;
	v10 =	vadd.s32 v6, v11;
	v6 =	vld.idx.msk [tilespmem:v9+s21+$0x0], $0xffff;
	v9 =	vmov v7  }
0xec: {  	v11 =	vshll.u32 v10, $0x4;
	[tilespmem:v4+s25+$0x0] =	vst.idx.add.f32.msk $0xffff, v12  }
0xed: {  	v10 =	vmul.u32 $0x14, v8;
	v8 =	vld.idx.msk [tilespmem:v2+s2+$0x0], $0xffff;
	v4 =	vor.u32 v0, v11  }
0xee: {  	_ =	sdelay $0x3  }
0xef: {  	v7 =	vld.idx.msk [tilespmem:v7+s2+$0x0], $0xffff  }
0xf0: {  	v2 =	vld.idx.msk [tilespmem:v2+s21+$0x0], $0xffff  }
0xf1: {  	v9 =	vld.idx.msk [tilespmem:v9+s21+$0x0], $0xffff  }
0xf2: {  	v5 =	vmul.u32 $0x14, v5  }
0xf3: {  	v3 =	vadd.s32 v3, v10;
	v8 =	vmul.u32 $0x14, v8  }
0xf4: {  	v3 =	vshll.u32 v3, $0x4;
	v5 =	vadd.s32 v6, v5;
	v6 =	vmul.u32 $0x14, v7  }
0xf5: {  	v3 =	vor.u32 v0, v3;
	v5 =	vshll.u32 v5, $0x4;
	v2 =	vadd.s32 v2, v8  }
0xf6: {  	v5 =	vor.u32 v0, v5;
	v2 =	vshll.u32 v2, $0x4;
	v6 =	vadd.s32 v9, v6  }
0xf7: {  	v2 =	vor.u32 v0, v2;
	v6 =	vshll.u32 v6, $0x4  }
0xf8: {  	[tilespmem:v1+s25+$0x0] =	vst.idx.add.f32.msk $0xffff, v12;
	v1 =	vor.u32 v0, v6  }
0xf9: {  	[tilespmem:v4+s25+$0x0] =	vst.idx.add.f32.msk $0xffff, v12  }
0xfa: {  	[tilespmem:v3+s25+$0x0] =	vst.idx.add.f32.msk $0xffff, v12  }
0xfb: {  	[tilespmem:v5+s25+$0x0] =	vst.idx.add.f32.msk $0xffff, v12  }
0xfc: {  	[tilespmem:v2+s25+$0x0] =	vst.idx.add.f32.msk $0xffff, v12  }
0xfd: {  	s1 =	simm.s32 $0x0;
	[tilespmem:v1+s25+$0x0] =	vst.idx.add.f32.msk $0xffff, v12  }
0xfe: {  	[tilespmem:s1], [sflag:$0x1] =	stream.linear.gather [hbm4b:s15+s1], $0x4000, $0x38;
	[tilespmem:$0x11B00] =	vst v63  }
0xff: {  	_ = 	snop  }
0x100: {  	[tilespmem:s21], [sflag:$0x1] =	stream.linear.gather [hbm4b:s16+s1], $0x4000, $0x38;
	[tilespmem:$0x11B00] =	vst v63  }
0x101: {  	_ =	swait.ge [sflag:s26], $0x4000  }
0x102: {  	s4 =	simm.s32 $0x10;
	v1 =	vor.u32 s1, v0;
	[sflag:s26] =	ssyncset.done $0x0  }
0x103: {  	v2 =	vor.u32 s4, v0;
	[sflag:s26] =	ssyncadd.s32 $0xFFFFC000  }
0x104: {  	_ =	swait.ge [sflag:s26], $0x4000  }
0x105: {  	[sflag:s26] =	ssyncset.done $0x0  }
0x106: {  	s5 =	simm.s32 $0x20;
	[sflag:s26] =	ssyncadd.s32 $0xFFFFC000  }
0x107: {  	v4 =	vor.u32 s5, v0;
	v3 =	vld.idx.msk [tilespmem:v1+s22+$0x0], $0xffff  }
0x108: {  	v5 =	vld.idx.msk [tilespmem:v2+s22+$0x0], $0xffff  }
0x109: {  	s28 =	simm.s32 $0x30;
	v1 =	vld.idx.msk [tilespmem:v1+s23+$0x0], $0xffff  }
0x10a: {  	v6 =	vor.u32 s28, v0;
	v7 =	vld.idx.msk [tilespmem:v2+s23+$0x0], $0xffff;
	_ =	sdelay $0x1  }
0x10b: {  	s29 =	simm.s32 $0x40;
	v9 =	vld.idx.msk [tilespmem:v4+s22+$0x0], $0xffff;
	v8 =	vmul.u32 $0x14, v3  }
0x10c: {  	v2 =	vor.u32 s29, v0;
	v10 =	vmul.u32 $0x14, v5  }
0x10d: {  	s30 =	simm.s32 $0x50;
	v3 =	vld.idx.msk [tilespmem:v4+s23+$0x0], $0xffff;
	v1 =	vadd.s32 v1, v8  }
0x10e: {  	v5 =	vld.idx.msk [tilespmem:v6+s22+$0x0], $0xffff;
	v4 =	vadd.s32 v7, v10;
	v7 =	vor.u32 s30, v0;
	v1 =	vshll.u32 v1, $0x4  }
0x10f: {  	v1 =	vor.u32 v0, v1  }
0x110: {  	v6 =	vld.idx.msk [tilespmem:v6+s23+$0x0], $0xffff;
	v10 =	vmul.u32 $0x14, v9;
	v4 =	vshll.u32 v4, $0x4;
	v9 =	vmov v7  }
0x111: {  	s1 =	simm.s32 $0x60;
	v8 =	vld.idx.msk [tilespmem:v2+s22+$0x0], $0xffff;
	v4 =	vor.u32 v0, v4  }
.LBB2_14:
0x112: {  	v11 =	vmov v3;
	v3 =	vld.idx.msk [tilespmem:v2+s23+$0x0], $0xffff;
	v2 =	vor.u32 s1, v0;
	p0 =	slt.u32 s1, $0x3FE0  }
.Ltmp6:
0x113: {  	s3 =	sadd.s32 $0x10, s1;
	s1 =	sadd.s32 $0x20, s1;
	v10 =	vadd.s32 v11, v10;
	v11 =	vmul.u32 $0x14, v5;
	v5 =	vld.idx.msk [tilespmem:v7+s22+$0x0], $0xffff;
	(pc) =	sbr.rel @p0 .LBB2_14-.Ltmp6, $4  }
0x114: {  	v7 =	vor.u32 s3, v0;
	v10 =	vshll.u32 v10, $0x4;
	[tilespmem:v1+s25+$0x0] =	vst.idx.add.f32.msk $0xffff, v12  }
0x115: {  	v1 =	vor.u32 v0, v10;
	v10 =	vadd.s32 v6, v11;
	v6 =	vld.idx.msk [tilespmem:v9+s23+$0x0], $0xffff;
	v9 =	vmov v7  }
0x116: {  	v11 =	vshll.u32 v10, $0x4;
	[tilespmem:v4+s25+$0x0] =	vst.idx.add.f32.msk $0xffff, v12  }
0x117: {  	v10 =	vmul.u32 $0x14, v8;
	v8 =	vld.idx.msk [tilespmem:v2+s22+$0x0], $0xffff;
	v4 =	vor.u32 v0, v11  }
0x118: {  	_ =	sdelay $0x3  }
0x119: {  	v7 =	vld.idx.msk [tilespmem:v7+s22+$0x0], $0xffff  }
0x11a: {  	v2 =	vld.idx.msk [tilespmem:v2+s23+$0x0], $0xffff  }
0x11b: {  	v9 =	vld.idx.msk [tilespmem:v9+s23+$0x0], $0xffff  }
0x11c: {  	v5 =	vmul.u32 $0x14, v5  }
0x11d: {  	v3 =	vadd.s32 v3, v10;
	v8 =	vmul.u32 $0x14, v8  }
0x11e: {  	v3 =	vshll.u32 v3, $0x4;
	v5 =	vadd.s32 v6, v5;
	v6 =	vmul.u32 $0x14, v7  }
0x11f: {  	v3 =	vor.u32 v0, v3;
	v5 =	vshll.u32 v5, $0x4;
	v2 =	vadd.s32 v2, v8  }
0x120: {  	v5 =	vor.u32 v0, v5;
	v2 =	vshll.u32 v2, $0x4;
	v6 =	vadd.s32 v9, v6  }
0x121: {  	v2 =	vor.u32 v0, v2;
	v6 =	vshll.u32 v6, $0x4  }
0x122: {  	[tilespmem:v1+s25+$0x0] =	vst.idx.add.f32.msk $0xffff, v12;
	v1 =	vor.u32 v0, v6  }
0x123: {  	[tilespmem:v4+s25+$0x0] =	vst.idx.add.f32.msk $0xffff, v12  }
0x124: {  	[tilespmem:v3+s25+$0x0] =	vst.idx.add.f32.msk $0xffff, v12  }
0x125: {  	[tilespmem:v5+s25+$0x0] =	vst.idx.add.f32.msk $0xffff, v12  }
0x126: {  	[tilespmem:v2+s25+$0x0] =	vst.idx.add.f32.msk $0xffff, v12  }
0x127: {  	s1 =	simm.s32 $0x0;
	[tilespmem:v1+s25+$0x0] =	vst.idx.add.f32.msk $0xffff, v12  }
0x128: {  	[tilespmem:s22], [sflag:$0x2] =	stream.linear.gather [hbm4b:s17+s1], $0x4000, $0x38;
	[tilespmem:$0x11B00] =	vst v63  }
0x129: {  	_ = 	snop  }
0x12a: {  	[tilespmem:s23], [sflag:$0x2] =	stream.linear.gather [hbm4b:s18+s1], $0x4000, $0x38;
	[tilespmem:$0x11B00] =	vst v63  }
0x12b: {  	_ =	swait.ge [sflag:s24], $0x4000  }
0x12c: {  	s4 =	simm.s32 $0x10;
	v1 =	vor.u32 s1, v0;
	[sflag:s24] =	ssyncset.done $0x0  }
0x12d: {  	v2 =	vor.u32 s4, v0;
	[sflag:s24] =	ssyncadd.s32 $0xFFFFC000  }
0x12e: {  	_ =	swait.ge [sflag:s24], $0x4000  }
0x12f: {  	[sflag:s24] =	ssyncset.done $0x0  }
0x130: {  	s5 =	simm.s32 $0x20;
	[sflag:s24] =	ssyncadd.s32 $0xFFFFC000  }
0x131: {  	v4 =	vor.u32 s5, v0;
	v3 =	vld.idx.msk [tilespmem:v1+s2+$0x0], $0xffff  }
0x132: {  	v5 =	vld.idx.msk [tilespmem:v2+s2+$0x0], $0xffff  }
0x133: {  	s28 =	simm.s32 $0x30;
	v1 =	vld.idx.msk [tilespmem:v1+s21+$0x0], $0xffff  }
0x134: {  	v6 =	vor.u32 s28, v0;
	v7 =	vld.idx.msk [tilespmem:v2+s21+$0x0], $0xffff;
	_ =	sdelay $0x1  }
0x135: {  	s29 =	simm.s32 $0x40;
	v9 =	vld.idx.msk [tilespmem:v4+s2+$0x0], $0xffff;
	v8 =	vmul.u32 $0x14, v3  }
0x136: {  	v2 =	vor.u32 s29, v0;
	v10 =	vmul.u32 $0x14, v5  }
0x137: {  	s30 =	simm.s32 $0x50;
	v3 =	vld.idx.msk [tilespmem:v4+s21+$0x0], $0xffff;
	v1 =	vadd.s32 v1, v8  }
0x138: {  	v5 =	vld.idx.msk [tilespmem:v6+s2+$0x0], $0xffff;
	v4 =	vadd.s32 v7, v10;
	v7 =	vor.u32 s30, v0;
	v1 =	vshll.u32 v1, $0x4  }
0x139: {  	v1 =	vor.u32 v0, v1  }
0x13a: {  	v6 =	vld.idx.msk [tilespmem:v6+s21+$0x0], $0xffff;
	v10 =	vmul.u32 $0x14, v9;
	v4 =	vshll.u32 v4, $0x4;
	v9 =	vmov v7  }
0x13b: {  	s1 =	simm.s32 $0x60;
	v8 =	vld.idx.msk [tilespmem:v2+s2+$0x0], $0xffff;
	v4 =	vor.u32 v0, v4  }
.LBB2_16:
0x13c: {  	v11 =	vmov v3;
	v3 =	vld.idx.msk [tilespmem:v2+s21+$0x0], $0xffff;
	v2 =	vor.u32 s1, v0;
	p0 =	slt.u32 s1, $0x3FE0  }
.Ltmp7:
0x13d: {  	s3 =	sadd.s32 $0x10, s1;
	s1 =	sadd.s32 $0x20, s1;
	v10 =	vadd.s32 v11, v10;
	v11 =	vmul.u32 $0x14, v5;
	v5 =	vld.idx.msk [tilespmem:v7+s2+$0x0], $0xffff;
	(pc) =	sbr.rel @p0 .LBB2_16-.Ltmp7, $4  }
0x13e: {  	v7 =	vor.u32 s3, v0;
	v10 =	vshll.u32 v10, $0x4;
	[tilespmem:v1+s25+$0x0] =	vst.idx.add.f32.msk $0xffff, v12  }
0x13f: {  	v1 =	vor.u32 v0, v10;
	v10 =	vadd.s32 v6, v11;
	v6 =	vld.idx.msk [tilespmem:v9+s21+$0x0], $0xffff;
	v9 =	vmov v7  }
0x140: {  	v11 =	vshll.u32 v10, $0x4;
	[tilespmem:v4+s25+$0x0] =	vst.idx.add.f32.msk $0xffff, v12  }
0x141: {  	v10 =	vmul.u32 $0x14, v8;
	v8 =	vld.idx.msk [tilespmem:v2+s2+$0x0], $0xffff;
	v4 =	vor.u32 v0, v11  }
0x142: {  	_ =	sdelay $0x3  }
0x143: {  	v7 =	vld.idx.msk [tilespmem:v7+s2+$0x0], $0xffff  }
0x144: {  	v2 =	vld.idx.msk [tilespmem:v2+s21+$0x0], $0xffff  }
0x145: {  	v9 =	vld.idx.msk [tilespmem:v9+s21+$0x0], $0xffff  }
0x146: {  	v5 =	vmul.u32 $0x14, v5  }
0x147: {  	v3 =	vadd.s32 v3, v10;
	v8 =	vmul.u32 $0x14, v8  }
0x148: {  	v3 =	vshll.u32 v3, $0x4;
	v5 =	vadd.s32 v6, v5;
	v6 =	vmul.u32 $0x14, v7  }
0x149: {  	v3 =	vor.u32 v0, v3;
	v5 =	vshll.u32 v5, $0x4;
	v2 =	vadd.s32 v2, v8  }
0x14a: {  	v5 =	vor.u32 v0, v5;
	v2 =	vshll.u32 v2, $0x4;
	v6 =	vadd.s32 v9, v6  }
0x14b: {  	v2 =	vor.u32 v0, v2;
	v6 =	vshll.u32 v6, $0x4  }
0x14c: {  	[tilespmem:v1+s25+$0x0] =	vst.idx.add.f32.msk $0xffff, v12;
	v1 =	vor.u32 v0, v6  }
0x14d: {  	[tilespmem:v4+s25+$0x0] =	vst.idx.add.f32.msk $0xffff, v12  }
0x14e: {  	[tilespmem:v3+s25+$0x0] =	vst.idx.add.f32.msk $0xffff, v12  }
0x14f: {  	[tilespmem:v5+s25+$0x0] =	vst.idx.add.f32.msk $0xffff, v12  }
0x150: {  	[tilespmem:v2+s25+$0x0] =	vst.idx.add.f32.msk $0xffff, v12  }
0x151: {  	[tilespmem:v1+s25+$0x0] =	vst.idx.add.f32.msk $0xffff, v12  }
0x152: {  	s28 =	simm.s32 $0x0;
	_ =	swait.ge [sflag:s26], $0x4000  }
0x153: {  	s30 =	simm.s32 $0x10;
	v1 =	vor.u32 s28, v0;
	[sflag:s26] =	ssyncset.done $0x0  }
0x154: {  	v2 =	vor.u32 s30, v0;
	[sflag:s26] =	ssyncadd.s32 $0xFFFFC000  }
0x155: {  	_ =	swait.ge [sflag:s26], $0x4000  }
0x156: {  	[sflag:s26] =	ssyncset.done $0x0  }
0x157: {  	s29 =	simm.s32 $0x20;
	[sflag:s26] =	ssyncadd.s32 $0xFFFFC000  }
0x158: {  	v5 =	vor.u32 s29, v0;
	v4 =	vld.idx.msk [tilespmem:v1+s22+$0x0], $0xffff  }
0x159: {  	v6 =	vld.idx.msk [tilespmem:v2+s22+$0x0], $0xffff  }
0x15a: {  	s1 =	simm.s32 $0x30;
	v1 =	vld.idx.msk [tilespmem:v1+s23+$0x0], $0xffff  }
0x15b: {  	v8 =	vor.u32 s1, v0  }
0x15c: {  	v2 =	vld.idx.msk [tilespmem:v2+s23+$0x0], $0xffff  }
0x15d: {  	s4 =	simm.s32 $0x40;
	v9 =	vld.idx.msk [tilespmem:v5+s22+$0x0], $0xffff;
	v7 =	vmul.u32 $0x14, v4  }
0x15e: {  	v3 =	vor.u32 s4, v0  }
0x15f: {  	s5 =	simm.s32 $0x50;
	v6 =	vmul.u32 $0x14, v6;
	v4 =	vld.idx.msk [tilespmem:v5+s23+$0x0], $0xffff;
	v1 =	vadd.s32 v1, v7  }
0x160: {  	v5 =	vld.idx.msk [tilespmem:v8+s22+$0x0], $0xffff;
	v7 =	vor.u32 s5, v0;
	v1 =	vshll.u32 v1, $0x4  }
0x161: {  	v2 =	vadd.s32 v2, v6;
	v1 =	vor.u32 v0, v1  }
0x162: {  	v10 =	vmul.u32 $0x14, v9;
	v6 =	vld.idx.msk [tilespmem:v8+s23+$0x0], $0xffff;
	v2 =	vshll.u32 v2, $0x4;
	v9 =	vmov v7  }
0x163: {  	s3 =	simm.s32 $0x60;
	v8 =	vld.idx.msk [tilespmem:v3+s22+$0x0], $0xffff;
	v2 =	vor.u32 v0, v2  }
.LBB2_18:
0x164: {  	v11 =	vmov v4;
	v4 =	vld.idx.msk [tilespmem:v3+s23+$0x0], $0xffff;
	v3 =	vor.u32 s3, v0;
	p0 =	slt.u32 s3, $0x3FE0  }
.Ltmp8:
0x165: {  	s1 =	sadd.s32 $0x10, s3;
	s3 =	sadd.s32 $0x20, s3;
	v10 =	vadd.s32 v11, v10;
	v11 =	vmul.u32 $0x14, v5;
	v5 =	vld.idx.msk [tilespmem:v7+s22+$0x0], $0xffff;
	(pc) =	sbr.rel @p0 .LBB2_18-.Ltmp8, $4  }
0x166: {  	v7 =	vor.u32 s1, v0;
	v10 =	vshll.u32 v10, $0x4;
	[tilespmem:v1+s25+$0x0] =	vst.idx.add.f32.msk $0xffff, v12  }
0x167: {  	v1 =	vor.u32 v0, v10;
	v10 =	vadd.s32 v6, v11;
	v6 =	vld.idx.msk [tilespmem:v9+s23+$0x0], $0xffff;
	v9 =	vmov v7  }
0x168: {  	s1 =	simm.s32 $0x11920;
	v11 =	vshll.u32 v10, $0x4;
	[tilespmem:v2+s25+$0x0] =	vst.idx.add.f32.msk $0xffff, v12  }
0x169: {  	v10 =	vmul.u32 $0x14, v8;
	v8 =	vld.idx.msk [tilespmem:v3+s22+$0x0], $0xffff;
	v2 =	vor.u32 v0, v11  }
0x16a: {  	_ =	sdelay $0x3  }
0x16b: {  	v7 =	vld.idx.msk [tilespmem:v7+s22+$0x0], $0xffff  }
0x16c: {  	v3 =	vld.idx.msk [tilespmem:v3+s23+$0x0], $0xffff  }
0x16d: {  	v9 =	vld.idx.msk [tilespmem:v9+s23+$0x0], $0xffff  }
0x16e: {  	v5 =	vmul.u32 $0x14, v5  }
0x16f: {  	v4 =	vadd.s32 v4, v10;
	v8 =	vmul.u32 $0x14, v8  }
0x170: {  	v4 =	vshll.u32 v4, $0x4;
	v5 =	vadd.s32 v6, v5;
	v6 =	vmul.u32 $0x14, v7  }
0x171: {  	v4 =	vor.u32 v0, v4;
	v5 =	vshll.u32 v5, $0x4;
	v3 =	vadd.s32 v3, v8  }
0x172: {  	s3 =	simm.s32 $0x40;
	v5 =	vor.u32 v0, v5;
	v3 =	vshll.u32 v3, $0x4;
	v6 =	vadd.s32 v9, v6  }
0x173: {  	v7 =	vmov s3;
	v3 =	vor.u32 v0, v3;
	v6 =	vshll.u32 v6, $0x4  }
0x174: {  	[tilespmem:v1+s25+$0x0] =	vst.idx.add.f32.msk $0xffff, v12;
	v53 =	vor.u32 v0, v6;
	v6 =	vshll.u32 v7, $0x4  }
0x175: {  	[tilespmem:v2+s25+$0x0] =	vst.idx.add.f32.msk $0xffff, v12;
	v54 =	vor.u32 v48, v6  }
0x176: {  	[tilespmem:v4+s25+$0x0] =	vst.idx.add.f32.msk $0xffff, v12;
	v4 =	vor.u32 $0x1, v54  }
0x177: {  	[tilespmem:v5+s25+$0x0] =	vst.idx.add.f32.msk $0xffff, v12;
	v5 =	vor.u32 $0x2, v54  }
0x178: {  	v55 =	vor.u32 $0x4, v54;
	[tilespmem:v3+s25+$0x0] =	vst.idx.add.f32.msk $0xffff, v12  }
0x179: {  	v6 =	vor.u32 $0x5, v54;
	[tilespmem:v53+s25+$0x0] =	vst.idx.add.f32.msk $0xffff, v12  }
0x17a: {  	v8 =	vor.u32 $0x7, v54;
	v7 =	vld.idx.msk [tilespmem:v54+s25+$0x0], $0xffff  }
0x17b: {  	v10 =	vor.u32 $0x8, v54;
	v9 =	vld.idx.msk [tilespmem:v4+s25+$0x0], $0xffff  }
0x17c: {  	v11 =	vor.u32 $0x9, v54;
	v5 =	vld.idx.msk [tilespmem:v5+s25+$0x0], $0xffff  }
0x17d: {  	v4 =	vor.u32 $0x6, v54;
	v1 =	vld.idx.msk [tilespmem:v55+s25+$0x0], $0xffff  }
0x17e: {  	v14 =	vor.u32 $0xB, v54;
	v12 =	vld.idx.msk [tilespmem:v6+s25+$0x0], $0xffff  }
0x17f: {  	v16 =	vor.u32 $0xD, v54;
	v15 =	vld.idx.msk [tilespmem:v8+s25+$0x0], $0xffff  }
0x180: {  	v6 =	vor.u32 $0xA, v54;
	v10 =	vld.idx.msk [tilespmem:v10+s25+$0x0], $0xffff  }
0x181: {  	v17 =	vor.u32 $0xE, v54;
	v11 =	vld.idx.msk [tilespmem:v11+s25+$0x0], $0xffff  }
0x182: {  	v8 =	vor.u32 $0xC, v54;
	v13 =	vld.idx.msk [tilespmem:v4+s25+$0x0], $0xffff;
	v4 =	vmov s30  }
0x183: {  	v2 =	vor.u32 $0xF, v54;
	v14 =	vld.idx.msk [tilespmem:v14+s25+$0x0], $0xffff;
	v4 =	vshll.u32 v4, $0x4  }
0x184: {  	v3 =	vor.u32 $0x3, v54;
	v16 =	vld.idx.msk [tilespmem:v16+s25+$0x0], $0xffff;
	v4 =	vor.u32 v48, v4  }
0x185: {  	v18 =	vld.idx.msk [tilespmem:v6+s25+$0x0], $0xffff;
	v6 =	vor.u32 $0x1, v4  }
0x186: {  	v17 =	vld.idx.msk [tilespmem:v17+s25+$0x0], $0xffff;
	v19 =	vor.u32 $0x2, v4  }
0x187: {  	v20 =	vld.idx.msk [tilespmem:v8+s25+$0x0], $0xffff;
	v8 =	vor.u32 $0x3, v4  }
0x188: {  	v2 =	vld.idx.msk [tilespmem:v2+s25+$0x0], $0xffff;
	v21 =	vor.u32 $0x4, v4  }
0x189: {  	v3 =	vld.idx.msk [tilespmem:v3+s25+$0x0], $0xffff;
	v22 =	vor.u32 $0x5, v4  }
0x18a: {  	v23 =	vor.u32 $0x6, v4;
	v51 =	vld.idx.msk [tilespmem:v6+s25+$0x0], $0xffff  }
0x18b: {  	v24 =	vor.u32 $0x8, v4;
	v19 =	vld.idx.msk [tilespmem:v19+s25+$0x0], $0xffff  }
0x18c: {  	v6 =	vor.u32 $0x7, v4;
	v25 =	vld.idx.msk [tilespmem:v8+s25+$0x0], $0xffff  }
0x18d: {  	v26 =	vor.u32 $0xA, v4;
	v21 =	vld.idx.msk [tilespmem:v21+s25+$0x0], $0xffff  }
0x18e: {  	v8 =	vor.u32 $0x9, v4;
	v22 =	vld.idx.msk [tilespmem:v22+s25+$0x0], $0xffff  }
0x18f: {  	v27 =	vor.u32 $0xB, v4;
	v23 =	vld.idx.msk [tilespmem:v23+s25+$0x0], $0xffff  }
0x190: {  	v28 =	vor.u32 $0xC, v4;
	v24 =	vld.idx.msk [tilespmem:v24+s25+$0x0], $0xffff  }
0x191: {  	v30 =	vor.u32 $0xD, v4;
	v29 =	vld.idx.msk [tilespmem:v6+s25+$0x0], $0xffff;
	v6 =	vmov s29  }
0x192: {  	v31 =	vor.u32 $0xE, v4;
	v26 =	vld.idx.msk [tilespmem:v26+s25+$0x0], $0xffff;
	v6 =	vshll.u32 v6, $0x4  }
0x193: {  	v32 =	vld.idx.msk [tilespmem:v8+s25+$0x0], $0xffff;
	v8 =	vor.u32 $0xF, v4;
	v6 =	vor.u32 v48, v6  }
0x194: {  	v27 =	vld.idx.msk [tilespmem:v27+s25+$0x0], $0xffff;
	v33 =	vor.u32 $0x1, v6  }
0x195: {  	v28 =	vld.idx.msk [tilespmem:v28+s25+$0x0], $0xffff;
	v34 =	vor.u32 $0x2, v6  }
0x196: {  	v30 =	vld.idx.msk [tilespmem:v30+s25+$0x0], $0xffff;
	v35 =	vor.u32 $0x3, v6  }
0x197: {  	v31 =	vld.idx.msk [tilespmem:v31+s25+$0x0], $0xffff;
	v36 =	vor.u32 $0x4, v6  }
0x198: {  	v37 =	vor.u32 $0x5, v6;
	v38 =	vld.idx.msk [tilespmem:v8+s25+$0x0], $0xffff  }
0x199: {  	v56 =	vor.u32 $0x7, v6;
	v50 =	vld.idx.msk [tilespmem:v33+s25+$0x0], $0xffff  }
0x19a: {  	v39 =	vor.u32 $0x8, v6;
	v34 =	vld.idx.msk [tilespmem:v34+s25+$0x0], $0xffff  }
0x19b: {  	v8 =	vor.u32 $0x6, v6;
	v35 =	vld.idx.msk [tilespmem:v35+s25+$0x0], $0xffff  }
0x19c: {  	v57 =	vor.u32 $0x9, v6;
	v36 =	vld.idx.msk [tilespmem:v36+s25+$0x0], $0xffff  }
0x19d: {  	v40 =	vor.u32 $0xA, v6;
	v37 =	vld.idx.msk [tilespmem:v37+s25+$0x0], $0xffff  }
0x19e: {  	v42 =	vor.u32 $0xB, v6;
	v33 =	vld.idx.msk [tilespmem:v56+s25+$0x0], $0xffff  }
0x19f: {  	s5 =	simm.s32 $0x30;
	v43 =	vor.u32 $0xC, v6;
	v39 =	vld.idx.msk [tilespmem:v39+s25+$0x0], $0xffff  }
0x1a0: {  	v44 =	vor.u32 $0xD, v6;
	v41 =	vld.idx.msk [tilespmem:v8+s25+$0x0], $0xffff;
	v8 =	vmov s5  }
0x1a1: {  	v46 =	vor.u32 $0xE, v6;
	v0 =	vld.idx.msk [tilespmem:v57+s25+$0x0], $0xffff;
	v8 =	vshll.u32 v8, $0x4  }
0x1a2: {  	v45 =	vor.u32 $0xF, v6;
	v40 =	vld.idx.msk [tilespmem:v40+s25+$0x0], $0xffff;
	v8 =	vor.u32 v48, v8  }
0x1a3: {  	v42 =	vld.idx.msk [tilespmem:v42+s25+$0x0], $0xffff;
	v47 =	vor.u32 $0x1, v8  }
0x1a4: {  	v7 =	vadd.f32 v9, v7;
	v3 =	vadd.f32 v3, v5;
	v9 =	vld.idx.msk [tilespmem:v43+s25+$0x0], $0xffff;
	v5 =	vor.u32 $0x2, v8  }
0x1a5: {  	v1 =	vadd.f32 v12, v1;
	v12 =	vadd.f32 v15, v13;
	v15 =	vld.idx.msk [tilespmem:v44+s25+$0x0], $0xffff;
	v13 =	vor.u32 $0x3, v8  }
0x1a6: {  	v10 =	vadd.f32 v11, v10;
	v11 =	vadd.f32 v14, v18;
	v18 =	vld.idx.msk [tilespmem:v46+s25+$0x0], $0xffff;
	v14 =	vor.u32 $0x4, v8  }
0x1a7: {  	v2 =	vadd.f32 v2, v17;
	v16 =	vadd.f32 v16, v20;
	v20 =	vld.idx.msk [tilespmem:v45+s25+$0x0], $0xffff;
	v17 =	vor.u32 $0x5, v8  }
0x1a8: {  	v3 =	vadd.f32 v3, v7;
	v7 =	vor.u32 $0x6, v8;
	v56 =	vld.idx.msk [tilespmem:v47+s25+$0x0], $0xffff  }
0x1a9: {  	v1 =	vadd.f32 v12, v1;
	v10 =	vadd.f32 v11, v10;
	v11 =	vor.u32 $0x7, v8;
	v5 =	vld.idx.msk [tilespmem:v5+s25+$0x0], $0xffff  }
0x1aa: {  	v12 =	vor.u32 $0x8, v8;
	v13 =	vld.idx.msk [tilespmem:v13+s25+$0x0], $0xffff  }
0x1ab: {  	v1 =	vadd.f32 v1, v3;
	v3 =	vor.u32 $0x9, v8;
	v58 =	vld.idx.msk [tilespmem:v14+s25+$0x0], $0xffff  }
0x1ac: {  	v2 =	vadd.f32 v2, v16;
	v45 =	vadd.f32 v25, v19;
	v59 =	vor.u32 $0xB, v8;
	v16 =	vld.idx.msk [tilespmem:v17+s25+$0x0], $0xffff  }
0x1ad: {  	v19 =	vadd.f32 v22, v21;
	v22 =	vadd.f32 v29, v23;
	v23 =	vor.u32 $0xD, v8;
	v7 =	vld.idx.msk [tilespmem:v7+s25+$0x0], $0xffff  }
0x1ae: {  	v2 =	vadd.f32 v2, v10;
	v25 =	vor.u32 $0xE, v8;
	v21 =	vld.idx.msk [tilespmem:v11+s25+$0x0], $0xffff  }
0x1af: {  	v26 =	vadd.f32 v27, v26;
	v27 =	vor.u32 $0xF, v8;
	v11 =	vmov s28;
	v10 =	vld.idx.msk [tilespmem:v12+s25+$0x0], $0xffff  }
0x1b0: {  	v14 =	vor.u32 $0xA, v8;
	v3 =	vld.idx.msk [tilespmem:v3+s25+$0x0], $0xffff;
	v11 =	vshll.u32 v11, $0x4  }
0x1b1: {  	v1 =	vadd.f32 v2, v1;
	v17 =	vor.u32 $0xC, v8;
	v2 =	vld.idx.msk [tilespmem:v59+s25+$0x0], $0xffff;
	v11 =	vor.u32 v48, v11  }
0x1b2: {  	v28 =	vadd.f32 v30, v28;
	v24 =	vadd.f32 v32, v24;
	v23 =	vld.idx.msk [tilespmem:v23+s25+$0x0], $0xffff;
	v30 =	vor.u32 $0x1, v11  }
0x1b3: {  	v29 =	vadd.f32 v38, v31;
	v38 =	vadd.f32 v22, v19;
	v25 =	vld.idx.msk [tilespmem:v25+s25+$0x0], $0xffff;
	v22 =	vor.u32 $0x2, v11  }
0x1b4: {  	v19 =	vadd.f32 v26, v24;
	v27 =	vld.idx.msk [tilespmem:v27+s25+$0x0], $0xffff;
	v26 =	vor.u32 $0x3, v11  }
0x1b5: {  	v9 =	vadd.f32 v15, v9;
	v15 =	vadd.f32 v20, v18;
	v18 =	vor.u32 $0x5, v11;
	v14 =	vld.idx.msk [tilespmem:v14+s25+$0x0], $0xffff  }
0x1b6: {  	v44 =	vadd.f32 v35, v34;
	v60 =	vadd.f32 v42, v40;
	v31 =	vor.u32 $0x4, v11;
	v24 =	vld.idx.msk [tilespmem:v17+s25+$0x0], $0xffff  }
0x1b7: {  	v62 =	vor.u32 $0x6, v11;
	v17 =	vadd.f32 v29, v28;
	v28 =	vadd.f32 v0, v39;
	v34 =	vld.idx.msk [tilespmem:v30+s25+$0x0], $0xffff  }
0x1b8: {  	v61 =	vadd.f32 v37, v36;
	v9 =	vadd.f32 v15, v9;
	v15 =	vor.u32 $0x7, v11;
	v22 =	vld.idx.msk [tilespmem:v22+s25+$0x0], $0xffff  }
0x1b9: {  	v3 =	vadd.f32 v3, v10;
	v10 =	vor.u32 $0xA, v11;
	v28 =	vadd.f32 v60, v28;
	v12 =	vld.idx.msk [tilespmem:v26+s25+$0x0], $0xffff  }
0x1ba: {  	v20 =	vadd.f32 v17, v19;
	v19 =	vor.u32 $0x8, v11;
	v30 =	vadd.f32 v13, v5;
	v13 =	vld.idx.msk [tilespmem:v18+s25+$0x0], $0xffff  }
0x1bb: {  	v33 =	vadd.f32 v33, v41;
	v5 =	vor.u32 $0x9, v11;
	v17 =	vadd.f32 v9, v28;
	v9 =	vld.idx.msk [tilespmem:v31+s25+$0x0], $0xffff  }
0x1bc: {  	v28 =	vor.u32 $0xB, v11;
	v2 =	vadd.f32 v2, v14;
	v14 =	vadd.f32 v23, v24;
	v23 =	vld.idx.msk [tilespmem:v62+s25+$0x0], $0xffff  }
0x1bd: {  	v29 =	vadd.f32 v33, v61;
	v18 =	vadd.f32 v27, v25;
	v24 =	vld.idx.msk [tilespmem:v15+s25+$0x0], $0xffff  }
0x1be: {  	v36 =	vor.u32 $0xC, v11;
	v63 =	vadd.f32 v16, v58;
	v7 =	vadd.f32 v21, v7;
	v27 =	vld.idx.msk [tilespmem:v10+s25+$0x0], $0xffff  }
0x1bf: {  	v35 =	vor.u32 $0xD, v11;
	v2 =	vadd.f32 v2, v3;
	v3 =	vadd.f32 v18, v14;
	v25 =	vld.idx.msk [tilespmem:v19+s25+$0x0], $0xffff  }
0x1c0: {  	v32 =	vor.u32 $0xF, v11;
	v14 =	vadd.f32 v7, v63;
	v26 =	vld.idx.msk [tilespmem:v5+s25+$0x0], $0xffff;
	v21 =	vadd.f32 v12, v22  }
0x1c1: {  	s30 =	simm.s32 $0x50;
	s29 =	simm.s32 $0x0;
	[tilespmem:s1+$0x20] =	vst v1;
	s28 =	simm.s32 $0x11920;
	v33 =	vor.u32 $0xE, v11;
	v12 =	vadd.f32 v3, v2;
	v22 =	vadd.f32 v13, v9;
	v28 =	vld.idx.msk [tilespmem:v28+s25+$0x0], $0xffff  }
.LBB2_20:
0x1c2: {  	_ =	sdelay $0x2  }
0x1c3: {  	v47 =	vld.idx.msk [tilespmem:v35+s25+$0x0], $0xffff  }
0x1c4: {  	v55 =	vld.idx.msk [tilespmem:v6+s25+$0x0], $0xffff  }
0x1c5: {  	[tilespmem:$0x1FE60] =	vst v30;
	s5 =	sadd.s32 $0x40, s30;
	v57 =	vld.idx.msk [tilespmem:v8+s25+$0x0], $0xffff  }
0x1c6: {  	[tilespmem:$0x1FF00] =	vst v17;
	s4 =	sadd.s32 $0x20, s30;
	v59 =	vld.idx.msk [tilespmem:v11+s25+$0x0], $0xffff;
	v5 =	vmov s5  }
0x1c7: {  	[tilespmem:$0x1FEA0] =	vst v29;
	v3 =	vmov s4;
	s4 =	sadd.s32 $0x30, s30;
	v5 =	vshll.u32 v5, $0x4  }
0x1c8: {  	v7 =	vmov s4;
	v5 =	vor.u32 v48, v5;
	[tilespmem:$0x1FE10] =	vst v47  }
0x1c9: {  	v0 =	vld.idx.msk [tilespmem:v36+s25+$0x0], $0xffff;
	v3 =	vshll.u32 v3, $0x4;
	v7 =	vshll.u32 v7, $0x4;
	v9 =	vor.u32 $0x1, v5;
	[tilespmem:$0x1FDD0] =	vst v55  }
0x1ca: {  	s3 =	sadd.s32 $0x10, s30;
	v49 =	vld.idx.msk [tilespmem:v33+s25+$0x0], $0xffff;
	v6 =	vor.u32 v48, v3;
	v54 =	vor.u32 v48, v7;
	v7 =	vor.u32 $0x2, v5;
	[tilespmem:$0x1FDE0] =	vst v57  }
0x1cb: {  	v52 =	vld.idx.msk [tilespmem:v32+s25+$0x0], $0xffff;
	v2 =	vmov s3;
	v3 =	vor.u32 $0x3, v5;
	v10 =	vor.u32 $0x8, v6;
	[tilespmem:$0x1FDF0] =	vst v59  }
0x1cc: {  	v53 =	vld.idx.msk [tilespmem:v4+s25+$0x0], $0xffff;
	v2 =	vshll.u32 v2, $0x4;
	v58 =	vor.u32 $0x4, v5;
	[tilespmem:$0x1FE70] =	vst v10;
	v10 =	vor.u32 $0xA, v6  }
0x1cd: {  	v4 =	vor.u32 v48, v2;
	v8 =	vmovc v54;
	v59 =	vor.u32 $0xC, v5;
	[tilespmem:$0x1FE80] =	vst v10;
	v10 =	vor.u32 $0xD, v6;
	v39 =	vld.idx.msk [tilespmem:v5+s25+$0x0], $0xffff  }
0x1ce: {  	v1 =	vmov s30;
	v32 =	vor.u32 $0x1, v4;
	v31 =	vor.u32 $0xE, v8;
	[tilespmem:$0x1FEB0] =	vst v10;
	v42 =	vld.idx.msk [tilespmem:v9+s25+$0x0], $0xffff  }
0x1cf: {  	v1 =	vshll.u32 v1, $0x4;
	v60 =	vor.u32 $0x5, v5;
	v10 =	vor.u32 $0xE, v6;
	[tilespmem:$0x1FFC0] =	vst v31;
	v54 =	vld.idx.msk [tilespmem:v7+s25+$0x0], $0xffff  }
0x1d0: {  	v1 =	vor.u32 v48, v1;
	v2 =	vor.u32 $0x9, v5;
	[tilespmem:$0x1FED0] =	vst v10;
	v10 =	vor.u32 $0xF, v6;
	v55 =	vld.idx.msk [tilespmem:v3+s25+$0x0], $0xffff  }
0x1d1: {  	v11 =	vmov v1;
	v1 =	vor.u32 $0xA, v5;
	v57 =	vld.idx.msk [tilespmem:v58+s25+$0x0], $0xffff;
	[tilespmem:$0x1FEE0] =	vst v10;
	v10 =	vor.u32 $0x1, v8  }
0x1d2: {  	v30 =	vmov v56;
	v56 =	vor.u32 $0xB, v5;
	[tilespmem:$0x1FEF0] =	vst v10;
	v18 =	vld.idx.msk [tilespmem:v59+s25+$0x0], $0xffff;
	v10 =	vor.u32 $0x2, v8  }
0x1d3: {  	v62 =	vor.u32 $0xE, v5;
	v59 =	vmov v20;
	v20 =	vld.idx.msk [tilespmem:v32+s25+$0x0], $0xffff;
	v32 =	vor.u32 $0x2, v11;
	[tilespmem:$0x1FF10] =	vst v10  }
0x1d4: {  	v17 =	vor.u32 $0xF, v5;
	v47 =	vld.idx.msk [tilespmem:v60+s25+$0x0], $0xffff;
	v10 =	vor.u32 $0x3, v8;
	[tilespmem:$0x1FFF0] =	vst v32  }
0x1d5: {  	v9 =	vor.u32 $0x6, v5;
	v61 =	vld.idx.msk [tilespmem:v2+s25+$0x0], $0xffff;
	[tilespmem:$0x1FF20] =	vst v10;
	v10 =	vor.u32 $0x4, v8  }
0x1d6: {  	v7 =	vor.u32 $0x7, v5;
	v63 =	vld.idx.msk [tilespmem:v1+s25+$0x0], $0xffff;
	[tilespmem:$0x1FF30] =	vst v10;
	v10 =	vor.u32 $0x6, v8  }
0x1d7: {  	v3 =	vor.u32 $0x8, v5;
	v56 =	vld.idx.msk [tilespmem:v56+s25+$0x0], $0xffff;
	[tilespmem:$0x1FF40] =	vst v10;
	v10 =	vor.u32 $0x7, v8  }
0x1d8: {  	v62 =	vld.idx.msk [tilespmem:v62+s25+$0x0], $0xffff;
	[tilespmem:$0x1FF50] =	vst v10;
	v10 =	vor.u32 $0x8, v8  }
0x1d9: {  	v35 =	vor.u32 $0x3, v4;
	v17 =	vld.idx.msk [tilespmem:v17+s25+$0x0], $0xffff;
	[tilespmem:$0x1FF60] =	vst v10;
	v10 =	vor.u32 $0x9, v8  }
0x1da: {  	v29 =	vmov v50;
	v33 =	vor.u32 $0x2, v4;
	v50 =	vld.idx.msk [tilespmem:v9+s25+$0x0], $0xffff;
	[tilespmem:$0x1FF70] =	vst v10;
	v10 =	vor.u32 $0xA, v8  }
0x1db: {  	v36 =	vor.u32 $0x4, v4;
	v9 =	vmov v51;
	v51 =	vld.idx.msk [tilespmem:v7+s25+$0x0], $0xffff;
	[tilespmem:$0x1FF80] =	vst v10;
	v10 =	vor.u32 $0xB, v8  }
0x1dc: {  	v60 =	vor.u32 $0xD, v5;
	v58 =	vld.idx.msk [tilespmem:v3+s25+$0x0], $0xffff;
	[tilespmem:$0x1FF90] =	vst v10;
	v10 =	vor.u32 $0xC, v8  }
0x1dd: {  	[tilespmem:$0x1FFA0] =	vst v10;
	v10 =	vor.u32 $0xD, v8  }
0x1de: {  	v31 =	vmov v12;
	v12 =	vld.idx.msk [tilespmem:v35+s25+$0x0], $0xffff;
	v32 =	vadd.f32 v42, v39;
	[tilespmem:$0x1FFB0] =	vst v10;
	v10 =	vor.u32 $0x1, v11  }
0x1df: {  	v35 =	vadd.f32 v47, v57;
	v17 =	vadd.f32 v17, v62;
	[tilespmem:$0x1FFE0] =	vst v10;
	v10 =	vld.idx.msk [tilespmem:v33+s25+$0x0], $0xffff;
	v33 =	vor.u32 $0xF, v8  }
0x1e0: {  	v42 =	vld.idx.msk [tilespmem:v36+s25+$0x0], $0xffff;
	v36 =	vadd.f32 v51, v50;
	[tilespmem:$0x1FFD0] =	vst v33;
	v33 =	vadd.f32 v55, v54  }
0x1e1: {  	v19 =	vld.idx.msk [tilespmem:v60+s25+$0x0], $0xffff;
	v51 =	vadd.f32 v61, v58;
	v61 =	vadd.f32 v56, v63  }
0x1e2: {  	[tilespmem:$0x1FE90] =	vst v38;
	v62 =	vadd.f32 v36, v35;
	v32 =	vadd.f32 v33, v32  }
0x1e3: {  	v38 =	vor.u32 $0x9, v4;
	[tilespmem:$0x1FDC0] =	vst v53  }
0x1e4: {  	v63 =	vadd.f32 v61, v51;
	v61 =	vadd.f32 v62, v32;
	v62 =	vld [tilespmem:$0x1FDC0];
	_ =	sdelay $0x1  }
0x1e5: {  	v18 =	vadd.f32 v19, v18;
	_ =	sdelay $0x1  }
0x1e6: {  	v17 =	vadd.f32 v17, v18;
	v18 =	vld.idx.msk [tilespmem:v38+s25+$0x0], $0xffff  }
0x1e7: {  	v38 =	vadd.f32 v9, v62;
	v9 =	vld [tilespmem:$0x1FDD0]  }
0x1e8: {  	v17 =	vadd.f32 v17, v63;
	_ =	sdelay $0x1  }
0x1e9: {  	v46 =	vor.u32 $0x5, v4;
	v17 =	vadd.f32 v17, v61  }
0x1ea: {  	s1 =	sadd.s32 $0x50, s1  }
0x1eb: {  	[tilespmem:s1+$0x20] =	vst v17;
	v17 =	vadd.f32 v29, v9;
	v9 =	vld [tilespmem:$0x1FDE0];
	_ =	sdelay $0x2  }
0x1ec: {  	v13 =	vor.u32 $0x1, v6;
	v50 =	vld.idx.msk [tilespmem:v46+s25+$0x0], $0xffff;
	_ =	sdelay $0x1  }
0x1ed: {  	v62 =	vadd.f32 v30, v9;
	v9 =	vld [tilespmem:$0x1FDF0];
	_ =	sdelay $0x2  }
0x1ee: {  	v10 =	vadd.f32 v12, v10;
	v12 =	vadd.f32 v50, v42;
	v50 =	vld.idx.msk [tilespmem:v13+s25+$0x0], $0xffff  }
0x1ef: {  	[tilespmem:$0x1FE00] =	vst v0;
	v13 =	vld [tilespmem:$0x1FE10]  }
0x1f0: {  	v29 =	vadd.f32 v34, v9;
	v9 =	vld [tilespmem:$0x1FE00];
	_ =	sdelay $0x3  }
0x1f1: {  	v23 =	vadd.f32 v24, v23;
	v24 =	vadd.f32 v26, v25;
	[tilespmem:$0x1FE20] =	vst v49  }
0x1f2: {  	v26 =	vadd.f32 v28, v27;
	[tilespmem:$0x1FE30] =	vst v52;
	v27 =	vadd.f32 v13, v9;
	v9 =	vld [tilespmem:$0x1FE20]  }
0x1f3: {  	v3 =	vor.u32 $0x7, v6;
	v13 =	vld [tilespmem:$0x1FE30];
	_ =	sdelay $0x3  }
0x1f4: {  	[tilespmem:$0x1FE50] =	vst v44;
	v44 =	vor.u32 $0xE, v4  }
0x1f5: {  	[tilespmem:$0x1FE40] =	vst v45;
	v45 =	vor.u32 $0xF, v4;
	v28 =	vadd.f32 v13, v9;
	v13 =	vld.idx.msk [tilespmem:v3+s25+$0x0], $0xffff  }
0x1f6: {  	v3 =	vld [tilespmem:$0x1FE50];
	_ =	sdelay $0x2  }
0x1f7: {  	v63 =	vld.idx.msk [tilespmem:v44+s25+$0x0], $0xffff  }
0x1f8: {  	v41 =	vor.u32 $0xC, v4;
	v61 =	vld.idx.msk [tilespmem:v45+s25+$0x0], $0xffff  }
0x1f9: {  	v17 =	vadd.f32 v3, v17;
	v3 =	vld [tilespmem:$0x1FE60]  }
0x1fa: {  	v43 =	vor.u32 $0xD, v4  }
0x1fb: {  	v40 =	vor.u32 $0xB, v4  }
0x1fc: {  	[tilespmem:$0x1FEC0] =	vst v14;
	v14 =	vor.u32 $0x4, v6  }
0x1fd: {  	v49 =	vor.u32 $0x6, v4;
	v41 =	vld.idx.msk [tilespmem:v41+s25+$0x0], $0xffff  }
0x1fe: {  	v52 =	vor.u32 $0x7, v4;
	v45 =	vmovc v10;
	v10 =	vadd.f32 v61, v63;
	v63 =	vadd.f32 v3, v62;
	v3 =	vld [tilespmem:$0x1FE70]  }
0x1ff: {  	v15 =	vor.u32 $0x5, v6;
	v51 =	vmov v20;
	v20 =	vld.idx.msk [tilespmem:v43+s25+$0x0], $0xffff  }
0x200: {  	v40 =	vld.idx.msk [tilespmem:v40+s25+$0x0], $0xffff  }
0x201: {  	v14 =	vld.idx.msk [tilespmem:v14+s25+$0x0], $0xffff  }
0x202: {  	v56 =	vld.idx.msk [tilespmem:v49+s25+$0x0], $0xffff  }
0x203: {  	v0 =	vor.u32 $0xA, v4;
	v19 =	vld.idx.msk [tilespmem:v52+s25+$0x0], $0xffff  }
0x204: {  	v53 =	vor.u32 $0x8, v4;
	v15 =	vld.idx.msk [tilespmem:v15+s25+$0x0], $0xffff;
	v20 =	vadd.f32 v20, v41  }
0x205: {  	v9 =	vld [tilespmem:$0x1FE40]  }
0x206: {  	v10 =	vadd.f32 v10, v20;
	v20 =	vld.idx.msk [tilespmem:v3+s25+$0x0], $0xffff  }
0x207: {  	v5 =	vor.u32 $0xC, v6;
	v3 =	vld [tilespmem:$0x1FE90]  }
0x208: {  	v0 =	vld.idx.msk [tilespmem:v0+s25+$0x0], $0xffff;
	v19 =	vadd.f32 v19, v56  }
0x209: {  	v58 =	vld.idx.msk [tilespmem:v53+s25+$0x0], $0xffff  }
0x20a: {  	v12 =	vadd.f32 v19, v12;
	v19 =	vadd.f32 v9, v38;
	_ =	sdelay $0x1  }
0x20b: {  	v14 =	vadd.f32 v15, v14;
	v15 =	vadd.f32 v3, v19;
	v3 =	vld.idx.msk [tilespmem:v5+s25+$0x0], $0xffff  }
0x20c: {  	v5 =	vld [tilespmem:$0x1FEA0]  }
0x20d: {  	v0 =	vadd.f32 v40, v0;
	v18 =	vadd.f32 v18, v58;
	_ =	sdelay $0x1  }
0x20e: {  	v0 =	vadd.f32 v0, v18;
	_ =	sdelay $0x1  }
0x20f: {  	v0 =	vadd.f32 v10, v0;
	v10 =	vadd.f32 v5, v17;
	v5 =	vld [tilespmem:$0x1FEB0];
	_ =	sdelay $0x1  }
0x210: {  	v7 =	vor.u32 $0x6, v6;
	_ =	sdelay $0x2  }
0x211: {  	v38 =	vld [tilespmem:$0x1FE80];
	_ =	sdelay $0x1  }
0x212: {  	v2 =	vor.u32 $0x9, v6;
	v18 =	vld.idx.msk [tilespmem:v7+s25+$0x0], $0xffff  }
0x213: {  	v9 =	vld.idx.msk [tilespmem:v5+s25+$0x0], $0xffff  }
0x214: {  	v5 =	vld [tilespmem:$0x1FEC0];
	_ =	sdelay $0x2  }
0x215: {  	v21 =	vadd.f32 v21, v29;
	v29 =	vld.idx.msk [tilespmem:v2+s25+$0x0], $0xffff  }
0x216: {  	v2 =	vld.idx.msk [tilespmem:v38+s25+$0x0], $0xffff  }
0x217: {  	v16 =	vor.u32 $0x2, v6;
	v38 =	vmovc v12;
	v12 =	vadd.f32 v13, v18;
	v13 =	vadd.f32 v5, v63;
	v5 =	vld [tilespmem:$0x1FED0]  }
0x218: {  	v37 =	vor.u32 $0x3, v6  }
0x219: {  	v1 =	vor.u32 $0xB, v6;
	_ =	sdelay $0x2  }
0x21a: {  	v16 =	vld.idx.msk [tilespmem:v16+s25+$0x0], $0xffff  }
0x21b: {  	v25 =	vld.idx.msk [tilespmem:v37+s25+$0x0], $0xffff  }
0x21c: {  	v1 =	vld.idx.msk [tilespmem:v1+s25+$0x0], $0xffff  }
0x21d: {  	v7 =	vld.idx.msk [tilespmem:v5+s25+$0x0], $0xffff  }
0x21e: {  	v5 =	vld [tilespmem:$0x1FEE0]  }
0x21f: {  	v41 =	vld [tilespmem:$0x1FF10]  }
0x220: {  	v58 =	vld [tilespmem:$0x1FF80]  }
0x221: {  	v18 =	vadd.f32 v29, v20;
	v29 =	vadd.f32 v12, v14;
	v12 =	vld [tilespmem:$0x1FEF0]  }
0x222: {  	v42 =	vadd.f32 v31, v13;
	v13 =	vld [tilespmem:$0x1FF20]  }
0x223: {  	v61 =	vld [tilespmem:$0x1FFE0]  }
0x224: {  	v62 =	vld [tilespmem:$0x1FFF0]  }
0x225: {  	v44 =	vadd.f32 v25, v16;
	v14 =	vld [tilespmem:$0x1FF00]  }
0x226: {  	v16 =	vadd.f32 v23, v22;
	v22 =	vadd.f32 v26, v24;
	v5 =	vld.idx.msk [tilespmem:v5+s25+$0x0], $0xffff  }
0x227: {  	v23 =	vadd.f32 v28, v27;
	v40 =	vadd.f32 v1, v2;
	v1 =	vld.idx.msk [tilespmem:v41+s25+$0x0], $0xffff  }
0x228: {  	v3 =	vadd.f32 v9, v3;
	v9 =	vld [tilespmem:$0x1FF30]  }
0x229: {  	v16 =	vadd.f32 v16, v21;
	v17 =	vadd.f32 v23, v22;
	v56 =	vld.idx.msk [tilespmem:v12+s25+$0x0], $0xffff  }
0x22a: {  	v10 =	vadd.f32 v14, v10;
	v13 =	vld.idx.msk [tilespmem:v13+s25+$0x0], $0xffff  }
0x22b: {  	v14 =	vadd.f32 v17, v16;
	v43 =	vadd.f32 v5, v7;
	v5 =	vld [tilespmem:$0x1FF40]  }
0x22c: {  	v12 =	vadd.f32 v59, v15;
	v7 =	vld [tilespmem:$0x1FF50]  }
0x22d: {  	v60 =	vor.u32 $0x5, v8;
	v59 =	vld [tilespmem:$0x1FF90];
	[tilespmem:s28+$0xFFFFFFE0] =	vst v14  }
0x22e: {  	[tilespmem:s28+$0xFFFFFFF0] =	vst v12;
	v12 =	vld [tilespmem:$0x1FF70]  }
0x22f: {  	v34 =	vld.idx.msk [tilespmem:v61+s25+$0x0], $0xffff  }
0x230: {  	v49 =	vor.u32 $0x6, v11;
	v9 =	vld.idx.msk [tilespmem:v9+s25+$0x0], $0xffff  }
0x231: {  	v30 =	vadd.f32 v13, v1;
	v13 =	vld [tilespmem:$0x1FFD0];
	[tilespmem:s28+$0x0] =	vst v10  }
0x232: {  	v10 =	vld.idx.msk [tilespmem:v60+s25+$0x0], $0xffff;
	[tilespmem:s28+$0x10] =	vst v42  }
0x233: {  	v5 =	vld.idx.msk [tilespmem:v5+s25+$0x0], $0xffff  }
0x234: {  	v7 =	vld.idx.msk [tilespmem:v7+s25+$0x0], $0xffff  }
0x235: {  	v23 =	vld.idx.msk [tilespmem:v49+s25+$0x0], $0xffff  }
0x236: {  	v2 =	vadd.f32 v43, v3;
	v3 =	vld [tilespmem:$0x1FF60]  }
0x237: {  	v60 =	vadd.f32 v10, v9;
	v9 =	vld [tilespmem:$0x1FFA0]  }
0x238: {  	v10 =	vld [tilespmem:$0x1FFB0]  }
0x239: {  	v5 =	vadd.f32 v7, v5;
	v7 =	vld [tilespmem:$0x1FFC0]  }
0x23a: {  	v12 =	vld.idx.msk [tilespmem:v12+s25+$0x0], $0xffff  }
0x23b: {  	v20 =	vmov v0;
	v0 =	vadd.f32 v40, v18;
	v1 =	vld.idx.msk [tilespmem:v59+s25+$0x0], $0xffff  }
0x23c: {  	v13 =	vld.idx.msk [tilespmem:v13+s25+$0x0], $0xffff  }
0x23d: {  	v39 =	vor.u32 $0x3, v11;
	v17 =	vadd.f32 v2, v0;
	v0 =	vld.idx.msk [tilespmem:v58+s25+$0x0], $0xffff  }
0x23e: {  	v3 =	vld.idx.msk [tilespmem:v3+s25+$0x0], $0xffff  }
0x23f: {  	v47 =	vor.u32 $0x4, v11;
	v9 =	vld.idx.msk [tilespmem:v9+s25+$0x0], $0xffff  }
0x240: {  	v46 =	vor.u32 $0x5, v11;
	v10 =	vld.idx.msk [tilespmem:v10+s25+$0x0], $0xffff  }
0x241: {  	v54 =	vor.u32 $0x7, v11;
	v7 =	vld.idx.msk [tilespmem:v7+s25+$0x0], $0xffff  }
0x242: {  	v57 =	vor.u32 $0x8, v11;
	v63 =	vld.idx.msk [tilespmem:v39+s25+$0x0], $0xffff  }
0x243: {  	v55 =	vor.u32 $0x9, v11;
	v2 =	vld.idx.msk [tilespmem:v62+s25+$0x0], $0xffff;
	v0 =	vadd.f32 v1, v0;
	v3 =	vadd.f32 v12, v3  }
0x244: {  	s29 =	sadd.s32 $0x5, s29;
	v52 =	vor.u32 $0xA, v11;
	v14 =	vadd.f32 v5, v60;
	v5 =	vld.idx.msk [tilespmem:v47+s25+$0x0], $0xffff  }
0x245: {  	p0 =	slt.u32 s29, $0x14;
	v53 =	vor.u32 $0xB, v11;
	v0 =	vadd.f32 v0, v3;
	v3 =	vld.idx.msk [tilespmem:v46+s25+$0x0], $0xffff  }
.Ltmp9:
0x246: {  	v24 =	vld.idx.msk [tilespmem:v54+s25+$0x0], $0xffff;
	v9 =	vadd.f32 v10, v9;
	v7 =	vadd.f32 v13, v7;
	(pc) =	sbr.rel @p0 .LBB2_20-.Ltmp9, $4  }
0x247: {  	v25 =	vld.idx.msk [tilespmem:v57+s25+$0x0], $0xffff  }
0x248: {  	v36 =	vor.u32 $0xC, v11;
	v26 =	vld.idx.msk [tilespmem:v55+s25+$0x0], $0xffff;
	v7 =	vadd.f32 v7, v9  }
0x249: {  	v35 =	vor.u32 $0xD, v11;
	v33 =	vor.u32 $0xE, v11;
	v27 =	vld.idx.msk [tilespmem:v52+s25+$0x0], $0xffff;
	v21 =	vadd.f32 v63, v2  }
0x24a: {  	s30 =	sadd.s32 $0x50, s30;
	v32 =	vor.u32 $0xF, v11;
	v28 =	vld.idx.msk [tilespmem:v53+s25+$0x0], $0xffff;
	s28 =	smov.u32 s1;
	v22 =	vadd.f32 v3, v5;
	v12 =	vadd.f32 v7, v0  }
0x24b: {  	_ =	sdelay $0x3  }
0x24c: {  	v0 =	vld.idx.msk [tilespmem:v36+s25+$0x0], $0xffff  }
0x24d: {  	v1 =	vld.idx.msk [tilespmem:v35+s25+$0x0], $0xffff  }
0x24e: {  	v2 =	vld.idx.msk [tilespmem:v4+s25+$0x0], $0xffff  }
0x24f: {  	v3 =	vld.idx.msk [tilespmem:v6+s25+$0x0], $0xffff  }
0x250: {  	v58 =	vld.idx.msk [tilespmem:v8+s25+$0x0], $0xffff  }
0x251: {  	v5 =	vld.idx.msk [tilespmem:v11+s25+$0x0], $0xffff  }
0x252: {  	v59 =	vld.idx.msk [tilespmem:v33+s25+$0x0], $0xffff;
	v60 =	vadd.f32 v24, v23  }
0x253: {  	v7 =	vld.idx.msk [tilespmem:v32+s25+$0x0], $0xffff  }
0x254: {  	v9 =	vadd.f32 v26, v25;
	v61 =	vadd.f32 v60, v22  }
0x255: {  	v10 =	vadd.f32 v28, v27;
	v2 =	vadd.f32 v51, v2  }
0x256: {  	v3 =	vadd.f32 v50, v3;
	v4 =	vadd.f32 v56, v58  }
0x257: {  	v5 =	vadd.f32 v34, v5;
	v0 =	vadd.f32 v1, v0  }
0x258: {  	v1 =	vadd.f32 v7, v59;
	v62 =	vadd.f32 v10, v9  }
0x259: {  	v2 =	vadd.f32 v45, v2;
	v3 =	vadd.f32 v44, v3  }
0x25a: {  	v4 =	vadd.f32 v30, v4;
	v5 =	vadd.f32 v21, v5  }
0x25b: {  	v0 =	vadd.f32 v1, v0;
	v1 =	vadd.f32 v38, v2  }
0x25c: {  	v2 =	vadd.f32 v29, v3;
	v3 =	vadd.f32 v14, v4  }
0x25d: {  	v63 =	vadd.f32 v61, v5;
	v1 =	vadd.f32 v20, v1  }
0x25e: {  	v0 =	vadd.f32 v0, v62;
	v2 =	vadd.f32 v17, v2  }
0x25f: {  	v3 =	vadd.f32 v12, v3;
	[tilespmem:s28+$0xFFFFFFF0] =	vst v1  }
0x260: {  	s0 =	sadd.s32 $0x1, s0;
	v0 =	vadd.f32 v0, v63;
	[tilespmem:s28+$0x0] =	vst v2  }
0x261: {  	s1 =	simm.s32 $0x80;
	p0 =	sne.s32 s0, s20;
	[tilespmem:s28+$0x10] =	vst v3  }
.Ltmp10:
0x262: {  	s3 =	simm.s32 $0x400;
	s4 =	simm.s32 $0x11900;
	[tilespmem:s28+$0xFFFFFFE0] =	vst v0;
	(pc) =	sbr.rel @p0 .LBB2_1-.Ltmp10, $4  }
0x263: {  	[hbm4b:s19+s1] =	stream.strided.scatter [tilespmem:s4], [sflag:$0x3], $0x200, s3, s1, $0x38;
	[tilespmem:$0x11B00] =	vst v63  }
0x264: {  	_ =	swait.ge [sflag:s31], $0x200  }
0x265: {  	[sflag:s31] =	ssyncset.done $0x0  }
0x266: {  	v12 =	vimm.f32 $1.000000000e+00;
	v0 =	vlaneseq.u32;
	v1 =	vimm.f32 $0.0e+00;
	[sflag:s31] =	ssyncadd.s32 $0xFFFFFE00  }
0x267: {  	_ =	sfence.sel $0x180000  }
0x268: {  	[bflag:$0x0] =	sbarrier.arrive $0xFFFF  }
0x269: {  	_ =	strace $0x90000047  }
0x26a: {  	s0 =	stileid.u32;
	[bflag:$0x2] =	sbarrier.arrive $0xFFFF  }
0x26b: {  	p0 =	sne.s32 s0, $0x0;
	s0 =	rddreg [dreg:$0x3]  }
0x26c: {  	s0 =	sadd.s32 @!p0 $0x100000, s0  }
0x26d: {  	[sflag:s0] =	ssyncadd.tile.s32 @!p0 $0x1;
	_ =	shalt  }
.Lfunc_end2:
_tile_overlayer_lowered:
.L_overlay_start_2:
0x26e: {  	(tag) =	ssettag $0x2  }
0x26f: {  	s0 =	rddreg [dreg:$0x0];
	s2 =	stileid.u32  }
0x270: {  	s1 =	rddreg [dreg:$0x1];
	p0 =	sne.s32 s2, $0x0  }
0x271: {  	s3 =	rddreg [dreg:$0x2];
	[bflag:$0x3] =	sbarrier.arrive $0xFFFF;
	s2 =	simm.s32 @!p0 $0x1C03  }
0x272: {  	[timem:s3], [sflag:s2] =	dma.local @!p0 [hbm:s0], s1  }
0x273: {  	s0 =	simm.s32 @!p0 $0x3  }
0x274: {  	_ =	swait.ge @!p0 [sflag:s0], s1  }
0x275: {  	s1 =	ssub.s32 @!p0 $0x0, s1;
	[sflag:s0] =	ssyncset.done @!p0 $0x0  }
0x276: {  	[sflag:s0] =	ssyncadd.s32 @!p0 s1  }
0x277: {  	[bflag:$0x3] =	sbarrier.arrive $0xFFFF  }
0x278: {  	_ =	shalt  }

</sc_bundles>
